<compile_context>
chip_gen: v7x
topology: tpu7x:2x2x1
jax: 0.10.2.dev20260603
libtpu: 0.0.44.dev20260713+nightly
codegen_flags: <defaults>
</compile_context>

<pallas_src>
import functools

import jax
import jax.numpy as jnp
from jax import lax
from jax.experimental import pallas as pl
from jax.experimental.pallas import tpu as pltpu
from jax.experimental.pallas import tpu_sc as plsc


_CHUNK_ROWS = 16
_NBUF = 4


def _make_gather(V, D, B):
    info = plsc.get_sparse_core_info()
    NC, NS = info.num_cores, info.num_subcores
    NW = NC * NS
    assert B % NW == 0
    b_per_w = B // NW
    C = _CHUNK_ROWS
    NBUF = _NBUF
    n_chunks = b_per_w // C
    ni = n_chunks // NBUF
    mesh = plsc.VectorSubcoreMesh(core_axis_name="c", subcore_axis_name="s")

    @functools.partial(
        pl.kernel,
        mesh=mesh,
        out_type=jax.ShapeDtypeStruct((B, D), jnp.float32),
        scratch_types=[
            pltpu.VMEM((n_chunks, C), jnp.int32),
            pltpu.VMEM((NBUF, C, D), jnp.float32),
        ]
        + [pltpu.SemaphoreType.DMA] * (2 * NBUF),
    )
    def k(idx_hbm, table_hbm, out_hbm, idx_v, rows_v, *sems):
        gsem, osem = sems[:NBUF], sems[NBUF:]
        wid = lax.axis_index("s") * NC + lax.axis_index("c")
        base = wid * b_per_w
        pltpu.sync_copy(idx_hbm.at[wid], idx_v)
        bufs = [rows_v.at[b] for b in range(NBUF)]

        def start_gather(g, b, sem):
            pltpu.async_copy(table_hbm.at[idx_v.at[g]], bufs[b], sem)

        def wait_gather(b, sem):
            pltpu.make_async_copy(table_hbm.at[pl.ds(0, C)], bufs[b], sem).wait()

        def start_out(g, b, sem):
            pltpu.async_copy(bufs[b], out_hbm.at[pl.ds(base + g * C, C)], sem)

        def wait_out(b, sem):
            pltpu.make_async_copy(bufs[b], out_hbm.at[pl.ds(0, C)], sem).wait()

        for g in range(NBUF - 1):
            start_gather(g, g, gsem[g])

        def body(i, carry):
            for b in range(NBUF):
                g = NBUF * i + b
                bn = (b + NBUF - 1) % NBUF

                @pl.when(jnp.logical_and(g >= 1, g + NBUF - 1 < n_chunks))
                def _():
                    wait_out(bn, osem[bn])

                @pl.when(g + NBUF - 1 < n_chunks)
                def _():
                    start_gather(g + NBUF - 1, bn, gsem[bn])

                wait_gather(b, gsem[b])
                start_out(g, b, osem[b])
            return carry

        lax.fori_loop(0, ni, body, 0)
        for b in range(NBUF):
            wait_out(b, osem[b])

    return k


@jax.jit
def kernel(positions, pos_embedding):
    V, D = pos_embedding.shape
    B = positions.size
    info = plsc.get_sparse_core_info()
    NW = info.num_cores * info.num_subcores
    C = _CHUNK_ROWS
    idx = positions.reshape(NW, (B // NW) // C, C).astype(jnp.int32)
    out = _make_gather(V, D, B)(idx, pos_embedding)
    return out.reshape(positions.shape + (D,))

# --- scband reference (transcript-rebuilt; emitter-appended) ---
"""Pipeline reference for scband-sinusoidal-positional-encoding-63247688401607 (READ-ONLY COPY).

The authoritative reference and input builder live on the scoring server;
editing this copy changes nothing except your own understanding.
"""

import math
import jax, jax.numpy as jnp
import numpy as np

D_MODEL = 1024
MAX_LEN = 8192


def _build_pos_embedding(d_model: int, max_len: int) -> jnp.ndarray:
    positions_list = jnp.arange(0, max_len, dtype=jnp.float32).reshape(-1, 1)
    division_term = jnp.exp(jnp.arange(0, d_model, 2, dtype=jnp.float32) * (-math.log(10000.0) / d_model))
    pe = jnp.zeros((max_len, d_model), dtype=jnp.float32)
    pe = pe.at[:, 0::2].set(jnp.sin(positions_list * division_term))
    pe = pe.at[:, 1::2].set(jnp.cos(positions_list * division_term))
    return pe


def setup_inputs(seed: int = 0) -> dict:
    key = jax.random.key(seed)
    positions = jax.random.randint(key, (4, 8192), 0, MAX_LEN, dtype=jnp.int64 if jax.config.jax_enable_x64 else jnp.int32)
    pos_embedding = _build_pos_embedding(D_MODEL, MAX_LEN)
    return {"positions": positions, "pos_embedding": pos_embedding}


def reference(positions, pos_embedding):
    # embedding = self.pos_embedding[positions]
    embedding = jnp.take(pos_embedding, positions, axis=0)
    return embedding

if __name__ == "__main__":
    import jax
    _d = setup_inputs()
    print(jax.jit(kernel)(*tuple(_d.values())))

</pallas_src>

<mosaic_0001>
#map = affine_map<(d0, d1) -> (0, 0, 0)>
#map1 = affine_map<(d0, d1) -> (0, 0)>
module attributes {stable_mosaic.version = 14 : i64} {
  func.func @k(%arg0: i32, %arg1: i32, %arg2: memref<32x64x16xi32, #tpu.memory_space<hbm>>, %arg3: memref<8192x1024xf32, #tpu.memory_space<hbm>>, %arg4: memref<32768x1024xf32, #tpu.memory_space<hbm>>, %arg5: memref<64x16xi32, #tpu.memory_space<vmem>>, %arg6: memref<4x16x1024xf32, #tpu.memory_space<vmem>>, %arg7: memref<!tpu.dma_semaphore, #tpu.memory_space<semaphore_mem>>, %arg8: memref<!tpu.dma_semaphore, #tpu.memory_space<semaphore_mem>>, %arg9: memref<!tpu.dma_semaphore, #tpu.memory_space<semaphore_mem>>, %arg10: memref<!tpu.dma_semaphore, #tpu.memory_space<semaphore_mem>>, %arg11: memref<!tpu.dma_semaphore, #tpu.memory_space<semaphore_mem>>, %arg12: memref<!tpu.dma_semaphore, #tpu.memory_space<semaphore_mem>>, %arg13: memref<!tpu.dma_semaphore, #tpu.memory_space<semaphore_mem>>, %arg14: memref<!tpu.dma_semaphore, #tpu.memory_space<semaphore_mem>>) attributes {dimension_semantics = [#tpu.dimension_semantics<core_parallel>, #tpu.dimension_semantics<subcore_parallel>], iteration_bounds = array<i64: 2, 16>, scalar_prefetch = 0 : i64, scratch_operands = 10 : i64, tpu.core_type = #tpu.core_type<sc_vector_subcore>, window_params = [{transform_indices = #map}, {transform_indices = #map1}, {transform_indices = #map1}]} {
    %mul3A = arith.constant 2 : i32
    %mul3A_0 = arith.muli %arg1, %mul3A : i32
    %add3A = arith.addi %mul3A_0, %arg0 : i32
    %mul3A_1 = arith.constant 1024 : i32
    %mul3A_2 = arith.muli %add3A, %mul3A_1 : i32
    "tpu.region"() ({
      %run_scoped3A = tpu.sem_alloc : memref<!tpu.dma_semaphore, #tpu.memory_space<semaphore_mem>>
      %dma_start3A_106 = arith.constant 0 : i32
      %dma_start3A_107 = arith.constant 0 : i32
      %dma_start3A_108 = tpu.memref_slice %arg2[%add3A, %dma_start3A_106, %dma_start3A_107] : memref<32x64x16xi32, #tpu.memory_space<hbm>> -> memref<1x64x16xi32, #tpu.memory_space<hbm>>
      %dma_start3A_109 = tpu.memref_squeeze %dma_start3A_108 : memref<1x64x16xi32, #tpu.memory_space<hbm>> -> memref<64x16xi32, #tpu.memory_space<hbm>>
      %dma_start3A_110 = arith.constant 0 : i32
      %dma_start3A_111 = arith.constant 0 : i32
      %dma_start3A_112 = tpu.memref_slice %arg2[%add3A, %dma_start3A_110, %dma_start3A_111] : memref<32x64x16xi32, #tpu.memory_space<hbm>> -> memref<1x64x16xi32, #tpu.memory_space<hbm>>
      %dma_start3A_113 = tpu.memref_squeeze %dma_start3A_112 : memref<1x64x16xi32, #tpu.memory_space<hbm>> -> memref<64x16xi32, #tpu.memory_space<hbm>>
      tpu.enqueue_dma source(%dma_start3A_113 : memref<64x16xi32, #tpu.memory_space<hbm>>) target(%arg5 : memref<64x16xi32, #tpu.memory_space<vmem>>) target_semaphore(%run_scoped3A : memref<!tpu.dma_semaphore, #tpu.memory_space<semaphore_mem>>)
      %dma_wait3A_114 = arith.constant 0 : i32
      %dma_wait3A_115 = arith.constant 0 : i32
      %dma_wait3A_116 = tpu.memref_slice %arg2[%add3A, %dma_wait3A_114, %dma_wait3A_115] : memref<32x64x16xi32, #tpu.memory_space<hbm>> -> memref<1x64x16xi32, #tpu.memory_space<hbm>>
      %dma_wait3A_117 = tpu.memref_squeeze %dma_wait3A_116 : memref<1x64x16xi32, #tpu.memory_space<hbm>> -> memref<64x16xi32, #tpu.memory_space<hbm>>
      %dma_wait3A_118 = arith.constant 0 : i32
      %dma_wait3A_119 = arith.constant 0 : i32
      %dma_wait3A_120 = tpu.memref_slice %arg2[%add3A, %dma_wait3A_118, %dma_wait3A_119] : memref<32x64x16xi32, #tpu.memory_space<hbm>> -> memref<1x64x16xi32, #tpu.memory_space<hbm>>
      %dma_wait3A_121 = tpu.memref_squeeze %dma_wait3A_120 : memref<1x64x16xi32, #tpu.memory_space<hbm>> -> memref<64x16xi32, #tpu.memory_space<hbm>>
      tpu.wait_dma2 semaphore(%run_scoped3A : memref<!tpu.dma_semaphore, #tpu.memory_space<semaphore_mem>>) src(%dma_wait3A_121 : memref<64x16xi32, #tpu.memory_space<hbm>>) dst(%arg5 : memref<64x16xi32, #tpu.memory_space<vmem>>)
      tpu.yield
    }) : () -> ()
    %dma_start3A = arith.constant 0 : i32
    %dma_start3A_3 = arith.constant 0 : i32
    %dma_start3A_4 = arith.constant 0 : i32
    %dma_start3A_5 = arith.constant 0 : i32
    %dma_start3A_6 = tpu.memref_slice %arg6[%dma_start3A_3, %dma_start3A_4, %dma_start3A_5] : memref<4x16x1024xf32, #tpu.memory_space<vmem>> -> memref<1x16x1024xf32, #tpu.memory_space<vmem>>
    %dma_start3A_7 = tpu.memref_squeeze %dma_start3A_6 : memref<1x16x1024xf32, #tpu.memory_space<vmem>> -> memref<16x1024xf32, #tpu.memory_space<vmem>>
    %dma_start3A_8 = arith.constant 0 : i32
    %dma_start3A_9 = tpu.memref_slice %arg5[%dma_start3A, %dma_start3A_8] : memref<64x16xi32, #tpu.memory_space<vmem>> -> memref<1x16xi32, #tpu.memory_space<vmem>>
    %dma_start3A_10 = tpu.memref_squeeze %dma_start3A_9 : memref<1x16xi32, #tpu.memory_space<vmem>> -> memref<16xi32, #tpu.memory_space<vmem>>
    %dma_start3A_11 = arith.constant 0 : i32
    %dma_start3A_12 = arith.constant 0 : i32
    %dma_start3A_13 = tpu.memref_slice %arg3[%dma_start3A_11, %dma_start3A_12] : memref<8192x1024xf32, #tpu.memory_space<hbm>> -> memref<8192x1024xf32, #tpu.memory_space<hbm>>
    tpu.enqueue_indirect_dma source(%dma_start3A_13 : memref<8192x1024xf32, #tpu.memory_space<hbm>>) target(%dma_start3A_7 : memref<16x1024xf32, #tpu.memory_space<vmem>>) offsets(%dma_start3A_10 : memref<16xi32, #tpu.memory_space<vmem>>) semaphore(%arg7 : memref<!tpu.dma_semaphore, #tpu.memory_space<semaphore_mem>>)
    %dma_start3A_14 = arith.constant 1 : i32
    %dma_start3A_15 = arith.constant 1 : i32
    %dma_start3A_16 = arith.constant 0 : i32
    %dma_start3A_17 = arith.constant 0 : i32
    %dma_start3A_18 = tpu.memref_slice %arg6[%dma_start3A_15, %dma_start3A_16, %dma_start3A_17] : memref<4x16x1024xf32, #tpu.memory_space<vmem>> -> memref<1x16x1024xf32, #tpu.memory_space<vmem>>
    %dma_start3A_19 = tpu.memref_squeeze %dma_start3A_18 : memref<1x16x1024xf32, #tpu.memory_space<vmem>> -> memref<16x1024xf32, #tpu.memory_space<vmem>>
    %dma_start3A_20 = arith.constant 0 : i32
    %dma_start3A_21 = tpu.memref_slice %arg5[%dma_start3A_14, %dma_start3A_20] : memref<64x16xi32, #tpu.memory_space<vmem>> -> memref<1x16xi32, #tpu.memory_space<vmem>>
    %dma_start3A_22 = tpu.memref_squeeze %dma_start3A_21 : memref<1x16xi32, #tpu.memory_space<vmem>> -> memref<16xi32, #tpu.memory_space<vmem>>
    %dma_start3A_23 = arith.constant 0 : i32
    %dma_start3A_24 = arith.constant 0 : i32
    %dma_start3A_25 = tpu.memref_slice %arg3[%dma_start3A_23, %dma_start3A_24] : memref<8192x1024xf32, #tpu.memory_space<hbm>> -> memref<8192x1024xf32, #tpu.memory_space<hbm>>
    tpu.enqueue_indirect_dma source(%dma_start3A_25 : memref<8192x1024xf32, #tpu.memory_space<hbm>>) target(%dma_start3A_19 : memref<16x1024xf32, #tpu.memory_space<vmem>>) offsets(%dma_start3A_22 : memref<16xi32, #tpu.memory_space<vmem>>) semaphore(%arg8 : memref<!tpu.dma_semaphore, #tpu.memory_space<semaphore_mem>>)
    %dma_start3A_26 = arith.constant 2 : i32
    %dma_start3A_27 = arith.constant 2 : i32
    %dma_start3A_28 = arith.constant 0 : i32
    %dma_start3A_29 = arith.constant 0 : i32
    %dma_start3A_30 = tpu.memref_slice %arg6[%dma_start3A_27, %dma_start3A_28, %dma_start3A_29] : memref<4x16x1024xf32, #tpu.memory_space<vmem>> -> memref<1x16x1024xf32, #tpu.memory_space<vmem>>
    %dma_start3A_31 = tpu.memref_squeeze %dma_start3A_30 : memref<1x16x1024xf32, #tpu.memory_space<vmem>> -> memref<16x1024xf32, #tpu.memory_space<vmem>>
    %dma_start3A_32 = arith.constant 0 : i32
    %dma_start3A_33 = tpu.memref_slice %arg5[%dma_start3A_26, %dma_start3A_32] : memref<64x16xi32, #tpu.memory_space<vmem>> -> memref<1x16xi32, #tpu.memory_space<vmem>>
    %dma_start3A_34 = tpu.memref_squeeze %dma_start3A_33 : memref<1x16xi32, #tpu.memory_space<vmem>> -> memref<16xi32, #tpu.memory_space<vmem>>
    %dma_start3A_35 = arith.constant 0 : i32
    %dma_start3A_36 = arith.constant 0 : i32
    %dma_start3A_37 = tpu.memref_slice %arg3[%dma_start3A_35, %dma_start3A_36] : memref<8192x1024xf32, #tpu.memory_space<hbm>> -> memref<8192x1024xf32, #tpu.memory_space<hbm>>
    tpu.enqueue_indirect_dma source(%dma_start3A_37 : memref<8192x1024xf32, #tpu.memory_space<hbm>>) target(%dma_start3A_31 : memref<16x1024xf32, #tpu.memory_space<vmem>>) offsets(%dma_start3A_34 : memref<16xi32, #tpu.memory_space<vmem>>) semaphore(%arg9 : memref<!tpu.dma_semaphore, #tpu.memory_space<semaphore_mem>>)
    %scan3A = arith.constant 0 : i32
    %scan3A_38 = arith.constant 3 : i32
    %scan3A_39 = arith.constant 0 : i32
    %scan3A_40 = arith.constant 1 : i32
    %scan3A_41 = arith.constant 2 : i32
    %scan3A_42 = arith.constant 0 : i32
    %scan3A_43 = arith.constant 16 : i32
    %scan3A_44 = arith.addi %scan3A_42, %scan3A_43 : i32
    %scan3A_45 = arith.constant 1 : i32
    scf.for %scan3A_106 = %scan3A_42 to %scan3A_44 step %scan3A_45  : i32 {
      %mul3A_107 = arith.constant 4 : i32
      %mul3A_108 = arith.muli %mul3A_107, %scan3A_106 : i32
      %add3A_109 = arith.constant 0 : i32
      %add3A_110 = arith.addi %mul3A_108, %add3A_109 : i32
      %ge3A = arith.constant 1 : i32
      %ge3A_111 = arith.cmpi sge, %add3A_110, %ge3A : i32
      %add3A_112 = arith.constant 4 : i32
      %add3A_113 = arith.addi %add3A_110, %add3A_112 : i32
      %sub3A = arith.constant 1 : i32
      %sub3A_114 = arith.subi %add3A_113, %sub3A : i32
      %lt3A = arith.constant 64 : i32
      %lt3A_115 = arith.cmpi slt, %sub3A_114, %lt3A : i32
      %and3A = arith.andi %ge3A_111, %lt3A_115 : i1
      %convert_element_type3A = arith.extui %and3A : i1 to i32
      %cond3A = arith.constant 0 : i32
      %cond3A_116 = arith.cmpi ne, %convert_element_type3A, %cond3A : i32
      scf.if %cond3A_116 {
        %dma_wait3A_317 = arith.constant 0 : i32
        %dma_wait3A_318 = arith.constant 0 : i32
        %dma_wait3A_319 = tpu.memref_slice %arg6[%scan3A_38, %dma_wait3A_317, %dma_wait3A_318] : memref<4x16x1024xf32, #tpu.memory_space<vmem>> -> memref<1x16x1024xf32, #tpu.memory_space<vmem>>
        %dma_wait3A_320 = tpu.memref_squeeze %dma_wait3A_319 : memref<1x16x1024xf32, #tpu.memory_space<vmem>> -> memref<16x1024xf32, #tpu.memory_space<vmem>>
        %dma_wait3A_321 = arith.constant 0 : i32
        %dma_wait3A_322 = arith.constant 0 : i32
        %dma_wait3A_323 = tpu.memref_slice %arg4[%dma_wait3A_321, %dma_wait3A_322] : memref<32768x1024xf32, #tpu.memory_space<hbm>> -> memref<16x1024xf32, #tpu.memory_space<hbm>>
        %dma_wait3A_324 = arith.constant 0 : i32
        %dma_wait3A_325 = arith.constant 0 : i32
        %dma_wait3A_326 = tpu.memref_slice %arg4[%dma_wait3A_324, %dma_wait3A_325] : memref<32768x1024xf32, #tpu.memory_space<hbm>> -> memref<16x1024xf32, #tpu.memory_space<hbm>>
        %dma_wait3A_327 = arith.constant 0 : i32
        %dma_wait3A_328 = arith.constant 0 : i32
        %dma_wait3A_329 = tpu.memref_slice %arg6[%scan3A_38, %dma_wait3A_327, %dma_wait3A_328] : memref<4x16x1024xf32, #tpu.memory_space<vmem>> -> memref<1x16x1024xf32, #tpu.memory_space<vmem>>
        %dma_wait3A_330 = tpu.memref_squeeze %dma_wait3A_329 : memref<1x16x1024xf32, #tpu.memory_space<vmem>> -> memref<16x1024xf32, #tpu.memory_space<vmem>>
        tpu.wait_dma2 semaphore(%arg14 : memref<!tpu.dma_semaphore, #tpu.memory_space<semaphore_mem>>) src(%dma_wait3A_330 : memref<16x1024xf32, #tpu.memory_space<vmem>>) dst(%dma_wait3A_326 : memref<16x1024xf32, #tpu.memory_space<hbm>>)
      } else {
      }
      %add3A_117 = arith.constant 4 : i32
      %add3A_118 = arith.addi %add3A_110, %add3A_117 : i32
      %sub3A_119 = arith.constant 1 : i32
      %sub3A_120 = arith.subi %add3A_118, %sub3A_119 : i32
      %lt3A_121 = arith.constant 64 : i32
      %lt3A_122 = arith.cmpi slt, %sub3A_120, %lt3A_121 : i32
      %convert_element_type3A_123 = arith.extui %lt3A_122 : i1 to i32
      %cond3A_124 = arith.constant 0 : i32
      %cond3A_125 = arith.cmpi ne, %convert_element_type3A_123, %cond3A_124 : i32
      scf.if %cond3A_125 {
        %add3A_317 = arith.constant 4 : i32
        %add3A_318 = arith.addi %add3A_110, %add3A_317 : i32
        %sub3A_319 = arith.constant 1 : i32
        %sub3A_320 = arith.subi %add3A_318, %sub3A_319 : i32
        %dma_start3A_321 = arith.constant 0 : i32
        %dma_start3A_322 = arith.constant 0 : i32
        %dma_start3A_323 = tpu.memref_slice %arg6[%scan3A_38, %dma_start3A_321, %dma_start3A_322] : memref<4x16x1024xf32, #tpu.memory_space<vmem>> -> memref<1x16x1024xf32, #tpu.memory_space<vmem>>
        %dma_start3A_324 = tpu.memref_squeeze %dma_start3A_323 : memref<1x16x1024xf32, #tpu.memory_space<vmem>> -> memref<16x1024xf32, #tpu.memory_space<vmem>>
        %dma_start3A_325 = arith.constant 0 : i32
        %dma_start3A_326 = tpu.memref_slice %arg5[%sub3A_320, %dma_start3A_325] : memref<64x16xi32, #tpu.memory_space<vmem>> -> memref<1x16xi32, #tpu.memory_space<vmem>>
        %dma_start3A_327 = tpu.memref_squeeze %dma_start3A_326 : memref<1x16xi32, #tpu.memory_space<vmem>> -> memref<16xi32, #tpu.memory_space<vmem>>
        %dma_start3A_328 = arith.constant 0 : i32
        %dma_start3A_329 = arith.constant 0 : i32
        %dma_start3A_330 = tpu.memref_slice %arg3[%dma_start3A_328, %dma_start3A_329] : memref<8192x1024xf32, #tpu.memory_space<hbm>> -> memref<8192x1024xf32, #tpu.memory_space<hbm>>
        tpu.enqueue_indirect_dma source(%dma_start3A_330 : memref<8192x1024xf32, #tpu.memory_space<hbm>>) target(%dma_start3A_324 : memref<16x1024xf32, #tpu.memory_space<vmem>>) offsets(%dma_start3A_327 : memref<16xi32, #tpu.memory_space<vmem>>) semaphore(%arg10 : memref<!tpu.dma_semaphore, #tpu.memory_space<semaphore_mem>>)
      } else {
      }
      %dma_wait3A_126 = arith.constant 0 : i32
      %dma_wait3A_127 = arith.constant 0 : i32
      %dma_wait3A_128 = tpu.memref_slice %arg6[%scan3A_39, %dma_wait3A_126, %dma_wait3A_127] : memref<4x16x1024xf32, #tpu.memory_space<vmem>> -> memref<1x16x1024xf32, #tpu.memory_space<vmem>>
      %dma_wait3A_129 = tpu.memref_squeeze %dma_wait3A_128 : memref<1x16x1024xf32, #tpu.memory_space<vmem>> -> memref<16x1024xf32, #tpu.memory_space<vmem>>
      %dma_wait3A_130 = arith.constant 0 : i32
      %dma_wait3A_131 = arith.constant 0 : i32
      %dma_wait3A_132 = tpu.memref_slice %arg3[%dma_wait3A_130, %dma_wait3A_131] : memref<8192x1024xf32, #tpu.memory_space<hbm>> -> memref<16x1024xf32, #tpu.memory_space<hbm>>
      %dma_wait3A_133 = arith.constant 0 : i32
      %dma_wait3A_134 = arith.constant 0 : i32
      %dma_wait3A_135 = tpu.memref_slice %arg6[%scan3A_39, %dma_wait3A_133, %dma_wait3A_134] : memref<4x16x1024xf32, #tpu.memory_space<vmem>> -> memref<1x16x1024xf32, #tpu.memory_space<vmem>>
      %dma_wait3A_136 = tpu.memref_squeeze %dma_wait3A_135 : memref<1x16x1024xf32, #tpu.memory_space<vmem>> -> memref<16x1024xf32, #tpu.memory_space<vmem>>
      %dma_wait3A_137 = arith.constant 0 : i32
      %dma_wait3A_138 = arith.constant 0 : i32
      %dma_wait3A_139 = tpu.memref_slice %arg3[%dma_wait3A_137, %dma_wait3A_138] : memref<8192x1024xf32, #tpu.memory_space<hbm>> -> memref<16x1024xf32, #tpu.memory_space<hbm>>
      tpu.wait_dma2 semaphore(%arg7 : memref<!tpu.dma_semaphore, #tpu.memory_space<semaphore_mem>>) src(%dma_wait3A_139 : memref<16x1024xf32, #tpu.memory_space<hbm>>) dst(%dma_wait3A_136 : memref<16x1024xf32, #tpu.memory_space<vmem>>)
      %mul3A_140 = arith.constant 16 : i32
      %mul3A_141 = arith.muli %add3A_110, %mul3A_140 : i32
      %add3A_142 = arith.addi %mul3A_2, %mul3A_141 : i32
      %dma_start3A_143 = arith.constant 0 : i32
      %dma_start3A_144 = arith.constant 0 : i32
      %dma_start3A_145 = tpu.memref_slice %arg6[%scan3A_39, %dma_start3A_143, %dma_start3A_144] : memref<4x16x1024xf32, #tpu.memory_space<vmem>> -> memref<1x16x1024xf32, #tpu.memory_space<vmem>>
      %dma_start3A_146 = tpu.memref_squeeze %dma_start3A_145 : memref<1x16x1024xf32, #tpu.memory_space<vmem>> -> memref<16x1024xf32, #tpu.memory_space<vmem>>
      %dma_start3A_147 = arith.constant 0 : i32
      %dma_start3A_148 = tpu.memref_slice %arg4[%add3A_142, %dma_start3A_147] : memref<32768x1024xf32, #tpu.memory_space<hbm>> -> memref<16x1024xf32, #tpu.memory_space<hbm>>
      %dma_start3A_149 = arith.constant 0 : i32
      %dma_start3A_150 = tpu.memref_slice %arg4[%add3A_142, %dma_start3A_149] : memref<32768x1024xf32, #tpu.memory_space<hbm>> -> memref<16x1024xf32, #tpu.memory_space<hbm>>
      %dma_start3A_151 = arith.constant 0 : i32
      %dma_start3A_152 = arith.constant 0 : i32
      %dma_start3A_153 = tpu.memref_slice %arg6[%scan3A_39, %dma_start3A_151, %dma_start3A_152] : memref<4x16x1024xf32, #tpu.memory_space<vmem>> -> memref<1x16x1024xf32, #tpu.memory_space<vmem>>
      %dma_start3A_154 = tpu.memref_squeeze %dma_start3A_153 : memref<1x16x1024xf32, #tpu.memory_space<vmem>> -> memref<16x1024xf32, #tpu.memory_space<vmem>>
      tpu.enqueue_dma source(%dma_start3A_154 : memref<16x1024xf32, #tpu.memory_space<vmem>>) target(%dma_start3A_150 : memref<16x1024xf32, #tpu.memory_space<hbm>>) target_semaphore(%arg11 : memref<!tpu.dma_semaphore, #tpu.memory_space<semaphore_mem>>)
      %mul3A_155 = arith.constant 4 : i32
      %mul3A_156 = arith.muli %mul3A_155, %scan3A_106 : i32
      %add3A_157 = arith.constant 1 : i32
      %add3A_158 = arith.addi %mul3A_156, %add3A_157 : i32
      %ge3A_159 = arith.constant 1 : i32
      %ge3A_160 = arith.cmpi sge, %add3A_158, %ge3A_159 : i32
      %add3A_161 = arith.constant 4 : i32
      %add3A_162 = arith.addi %add3A_158, %add3A_161 : i32
      %sub3A_163 = arith.constant 1 : i32
      %sub3A_164 = arith.subi %add3A_162, %sub3A_163 : i32
      %lt3A_165 = arith.constant 64 : i32
      %lt3A_166 = arith.cmpi slt, %sub3A_164, %lt3A_165 : i32
      %and3A_167 = arith.andi %ge3A_160, %lt3A_166 : i1
      %convert_element_type3A_168 = arith.extui %and3A_167 : i1 to i32
      %cond3A_169 = arith.constant 0 : i32
      %cond3A_170 = arith.cmpi ne, %convert_element_type3A_168, %cond3A_169 : i32
      scf.if %cond3A_170 {
        %dma_wait3A_317 = arith.constant 0 : i32
        %dma_wait3A_318 = arith.constant 0 : i32
        %dma_wait3A_319 = tpu.memref_slice %arg6[%scan3A_39, %dma_wait3A_317, %dma_wait3A_318] : memref<4x16x1024xf32, #tpu.memory_space<vmem>> -> memref<1x16x1024xf32, #tpu.memory_space<vmem>>
        %dma_wait3A_320 = tpu.memref_squeeze %dma_wait3A_319 : memref<1x16x1024xf32, #tpu.memory_space<vmem>> -> memref<16x1024xf32, #tpu.memory_space<vmem>>
        %dma_wait3A_321 = arith.constant 0 : i32
        %dma_wait3A_322 = arith.constant 0 : i32
        %dma_wait3A_323 = tpu.memref_slice %arg4[%dma_wait3A_321, %dma_wait3A_322] : memref<32768x1024xf32, #tpu.memory_space<hbm>> -> memref<16x1024xf32, #tpu.memory_space<hbm>>
        %dma_wait3A_324 = arith.constant 0 : i32
        %dma_wait3A_325 = arith.constant 0 : i32
        %dma_wait3A_326 = tpu.memref_slice %arg4[%dma_wait3A_324, %dma_wait3A_325] : memref<32768x1024xf32, #tpu.memory_space<hbm>> -> memref<16x1024xf32, #tpu.memory_space<hbm>>
        %dma_wait3A_327 = arith.constant 0 : i32
        %dma_wait3A_328 = arith.constant 0 : i32
        %dma_wait3A_329 = tpu.memref_slice %arg6[%scan3A_39, %dma_wait3A_327, %dma_wait3A_328] : memref<4x16x1024xf32, #tpu.memory_space<vmem>> -> memref<1x16x1024xf32, #tpu.memory_space<vmem>>
        %dma_wait3A_330 = tpu.memref_squeeze %dma_wait3A_329 : memref<1x16x1024xf32, #tpu.memory_space<vmem>> -> memref<16x1024xf32, #tpu.memory_space<vmem>>
        tpu.wait_dma2 semaphore(%arg11 : memref<!tpu.dma_semaphore, #tpu.memory_space<semaphore_mem>>) src(%dma_wait3A_330 : memref<16x1024xf32, #tpu.memory_space<vmem>>) dst(%dma_wait3A_326 : memref<16x1024xf32, #tpu.memory_space<hbm>>)
      } else {
      }
      %add3A_171 = arith.constant 4 : i32
      %add3A_172 = arith.addi %add3A_158, %add3A_171 : i32
      %sub3A_173 = arith.constant 1 : i32
      %sub3A_174 = arith.subi %add3A_172, %sub3A_173 : i32
      %lt3A_175 = arith.constant 64 : i32
      %lt3A_176 = arith.cmpi slt, %sub3A_174, %lt3A_175 : i32
      %convert_element_type3A_177 = arith.extui %lt3A_176 : i1 to i32
      %cond3A_178 = arith.constant 0 : i32
      %cond3A_179 = arith.cmpi ne, %convert_element_type3A_177, %cond3A_178 : i32
      scf.if %cond3A_179 {
        %add3A_317 = arith.constant 4 : i32
        %add3A_318 = arith.addi %add3A_158, %add3A_317 : i32
        %sub3A_319 = arith.constant 1 : i32
        %sub3A_320 = arith.subi %add3A_318, %sub3A_319 : i32
        %dma_start3A_321 = arith.constant 0 : i32
        %dma_start3A_322 = arith.constant 0 : i32
        %dma_start3A_323 = tpu.memref_slice %arg6[%scan3A_39, %dma_start3A_321, %dma_start3A_322] : memref<4x16x1024xf32, #tpu.memory_space<vmem>> -> memref<1x16x1024xf32, #tpu.memory_space<vmem>>
        %dma_start3A_324 = tpu.memref_squeeze %dma_start3A_323 : memref<1x16x1024xf32, #tpu.memory_space<vmem>> -> memref<16x1024xf32, #tpu.memory_space<vmem>>
        %dma_start3A_325 = arith.constant 0 : i32
        %dma_start3A_326 = tpu.memref_slice %arg5[%sub3A_320, %dma_start3A_325] : memref<64x16xi32, #tpu.memory_space<vmem>> -> memref<1x16xi32, #tpu.memory_space<vmem>>
        %dma_start3A_327 = tpu.memref_squeeze %dma_start3A_326 : memref<1x16xi32, #tpu.memory_space<vmem>> -> memref<16xi32, #tpu.memory_space<vmem>>
        %dma_start3A_328 = arith.constant 0 : i32
        %dma_start3A_329 = arith.constant 0 : i32
        %dma_start3A_330 = tpu.memref_slice %arg3[%dma_start3A_328, %dma_start3A_329] : memref<8192x1024xf32, #tpu.memory_space<hbm>> -> memref<8192x1024xf32, #tpu.memory_space<hbm>>
        tpu.enqueue_indirect_dma source(%dma_start3A_330 : memref<8192x1024xf32, #tpu.memory_space<hbm>>) target(%dma_start3A_324 : memref<16x1024xf32, #tpu.memory_space<vmem>>) offsets(%dma_start3A_327 : memref<16xi32, #tpu.memory_space<vmem>>) semaphore(%arg7 : memref<!tpu.dma_semaphore, #tpu.memory_space<semaphore_mem>>)
      } else {
      }
      %dma_wait3A_180 = arith.constant 0 : i32
      %dma_wait3A_181 = arith.constant 0 : i32
      %dma_wait3A_182 = tpu.memref_slice %arg6[%scan3A_40, %dma_wait3A_180, %dma_wait3A_181] : memref<4x16x1024xf32, #tpu.memory_space<vmem>> -> memref<1x16x1024xf32, #tpu.memory_space<vmem>>
      %dma_wait3A_183 = tpu.memref_squeeze %dma_wait3A_182 : memref<1x16x1024xf32, #tpu.memory_space<vmem>> -> memref<16x1024xf32, #tpu.memory_space<vmem>>
      %dma_wait3A_184 = arith.constant 0 : i32
      %dma_wait3A_185 = arith.constant 0 : i32
      %dma_wait3A_186 = tpu.memref_slice %arg3[%dma_wait3A_184, %dma_wait3A_185] : memref<8192x1024xf32, #tpu.memory_space<hbm>> -> memref<16x1024xf32, #tpu.memory_space<hbm>>
      %dma_wait3A_187 = arith.constant 0 : i32
      %dma_wait3A_188 = arith.constant 0 : i32
      %dma_wait3A_189 = tpu.memref_slice %arg6[%scan3A_40, %dma_wait3A_187, %dma_wait3A_188] : memref<4x16x1024xf32, #tpu.memory_space<vmem>> -> memref<1x16x1024xf32, #tpu.memory_space<vmem>>
      %dma_wait3A_190 = tpu.memref_squeeze %dma_wait3A_189 : memref<1x16x1024xf32, #tpu.memory_space<vmem>> -> memref<16x1024xf32, #tpu.memory_space<vmem>>
      %dma_wait3A_191 = arith.constant 0 : i32
      %dma_wait3A_192 = arith.constant 0 : i32
      %dma_wait3A_193 = tpu.memref_slice %arg3[%dma_wait3A_191, %dma_wait3A_192] : memref<8192x1024xf32, #tpu.memory_space<hbm>> -> memref<16x1024xf32, #tpu.memory_space<hbm>>
      tpu.wait_dma2 semaphore(%arg8 : memref<!tpu.dma_semaphore, #tpu.memory_space<semaphore_mem>>) src(%dma_wait3A_193 : memref<16x1024xf32, #tpu.memory_space<hbm>>) dst(%dma_wait3A_190 : memref<16x1024xf32, #tpu.memory_space<vmem>>)
      %mul3A_194 = arith.constant 16 : i32
      %mul3A_195 = arith.muli %add3A_158, %mul3A_194 : i32
      %add3A_196 = arith.addi %mul3A_2, %mul3A_195 : i32
      %dma_start3A_197 = arith.constant 0 : i32
      %dma_start3A_198 = arith.constant 0 : i32
      %dma_start3A_199 = tpu.memref_slice %arg6[%scan3A_40, %dma_start3A_197, %dma_start3A_198] : memref<4x16x1024xf32, #tpu.memory_space<vmem>> -> memref<1x16x1024xf32, #tpu.memory_space<vmem>>
      %dma_start3A_200 = tpu.memref_squeeze %dma_start3A_199 : memref<1x16x1024xf32, #tpu.memory_space<vmem>> -> memref<16x1024xf32, #tpu.memory_space<vmem>>
      %dma_start3A_201 = arith.constant 0 : i32
      %dma_start3A_202 = tpu.memref_slice %arg4[%add3A_196, %dma_start3A_201] : memref<32768x1024xf32, #tpu.memory_space<hbm>> -> memref<16x1024xf32, #tpu.memory_space<hbm>>
      %dma_start3A_203 = arith.constant 0 : i32
      %dma_start3A_204 = tpu.memref_slice %arg4[%add3A_196, %dma_start3A_203] : memref<32768x1024xf32, #tpu.memory_space<hbm>> -> memref<16x1024xf32, #tpu.memory_space<hbm>>
      %dma_start3A_205 = arith.constant 0 : i32
      %dma_start3A_206 = arith.constant 0 : i32
      %dma_start3A_207 = tpu.memref_slice %arg6[%scan3A_40, %dma_start3A_205, %dma_start3A_206] : memref<4x16x1024xf32, #tpu.memory_space<vmem>> -> memref<1x16x1024xf32, #tpu.memory_space<vmem>>
      %dma_start3A_208 = tpu.memref_squeeze %dma_start3A_207 : memref<1x16x1024xf32, #tpu.memory_space<vmem>> -> memref<16x1024xf32, #tpu.memory_space<vmem>>
      tpu.enqueue_dma source(%dma_start3A_208 : memref<16x1024xf32, #tpu.memory_space<vmem>>) target(%dma_start3A_204 : memref<16x1024xf32, #tpu.memory_space<hbm>>) target_semaphore(%arg12 : memref<!tpu.dma_semaphore, #tpu.memory_space<semaphore_mem>>)
      %mul3A_209 = arith.constant 4 : i32
      %mul3A_210 = arith.muli %mul3A_209, %scan3A_106 : i32
      %add3A_211 = arith.constant 2 : i32
      %add3A_212 = arith.addi %mul3A_210, %add3A_211 : i32
      %ge3A_213 = arith.constant 1 : i32
      %ge3A_214 = arith.cmpi sge, %add3A_212, %ge3A_213 : i32
      %add3A_215 = arith.constant 4 : i32
      %add3A_216 = arith.addi %add3A_212, %add3A_215 : i32
      %sub3A_217 = arith.constant 1 : i32
      %sub3A_218 = arith.subi %add3A_216, %sub3A_217 : i32
      %lt3A_219 = arith.constant 64 : i32
      %lt3A_220 = arith.cmpi slt, %sub3A_218, %lt3A_219 : i32
      %and3A_221 = arith.andi %ge3A_214, %lt3A_220 : i1
      %convert_element_type3A_222 = arith.extui %and3A_221 : i1 to i32
      %cond3A_223 = arith.constant 0 : i32
      %cond3A_224 = arith.cmpi ne, %convert_element_type3A_222, %cond3A_223 : i32
      scf.if %cond3A_224 {
        %dma_wait3A_317 = arith.constant 0 : i32
        %dma_wait3A_318 = arith.constant 0 : i32
        %dma_wait3A_319 = tpu.memref_slice %arg6[%scan3A_40, %dma_wait3A_317, %dma_wait3A_318] : memref<4x16x1024xf32, #tpu.memory_space<vmem>> -> memref<1x16x1024xf32, #tpu.memory_space<vmem>>
        %dma_wait3A_320 = tpu.memref_squeeze %dma_wait3A_319 : memref<1x16x1024xf32, #tpu.memory_space<vmem>> -> memref<16x1024xf32, #tpu.memory_space<vmem>>
        %dma_wait3A_321 = arith.constant 0 : i32
        %dma_wait3A_322 = arith.constant 0 : i32
        %dma_wait3A_323 = tpu.memref_slice %arg4[%dma_wait3A_321, %dma_wait3A_322] : memref<32768x1024xf32, #tpu.memory_space<hbm>> -> memref<16x1024xf32, #tpu.memory_space<hbm>>
        %dma_wait3A_324 = arith.constant 0 : i32
        %dma_wait3A_325 = arith.constant 0 : i32
        %dma_wait3A_326 = tpu.memref_slice %arg4[%dma_wait3A_324, %dma_wait3A_325] : memref<32768x1024xf32, #tpu.memory_space<hbm>> -> memref<16x1024xf32, #tpu.memory_space<hbm>>
        %dma_wait3A_327 = arith.constant 0 : i32
        %dma_wait3A_328 = arith.constant 0 : i32
        %dma_wait3A_329 = tpu.memref_slice %arg6[%scan3A_40, %dma_wait3A_327, %dma_wait3A_328] : memref<4x16x1024xf32, #tpu.memory_space<vmem>> -> memref<1x16x1024xf32, #tpu.memory_space<vmem>>
        %dma_wait3A_330 = tpu.memref_squeeze %dma_wait3A_329 : memref<1x16x1024xf32, #tpu.memory_space<vmem>> -> memref<16x1024xf32, #tpu.memory_space<vmem>>
        tpu.wait_dma2 semaphore(%arg12 : memref<!tpu.dma_semaphore, #tpu.memory_space<semaphore_mem>>) src(%dma_wait3A_330 : memref<16x1024xf32, #tpu.memory_space<vmem>>) dst(%dma_wait3A_326 : memref<16x1024xf32, #tpu.memory_space<hbm>>)
      } else {
      }
      %add3A_225 = arith.constant 4 : i32
      %add3A_226 = arith.addi %add3A_212, %add3A_225 : i32
      %sub3A_227 = arith.constant 1 : i32
      %sub3A_228 = arith.subi %add3A_226, %sub3A_227 : i32
      %lt3A_229 = arith.constant 64 : i32
      %lt3A_230 = arith.cmpi slt, %sub3A_228, %lt3A_229 : i32
      %convert_element_type3A_231 = arith.extui %lt3A_230 : i1 to i32
      %cond3A_232 = arith.constant 0 : i32
      %cond3A_233 = arith.cmpi ne, %convert_element_type3A_231, %cond3A_232 : i32
      scf.if %cond3A_233 {
        %add3A_317 = arith.constant 4 : i32
        %add3A_318 = arith.addi %add3A_212, %add3A_317 : i32
        %sub3A_319 = arith.constant 1 : i32
        %sub3A_320 = arith.subi %add3A_318, %sub3A_319 : i32
        %dma_start3A_321 = arith.constant 0 : i32
        %dma_start3A_322 = arith.constant 0 : i32
        %dma_start3A_323 = tpu.memref_slice %arg6[%scan3A_40, %dma_start3A_321, %dma_start3A_322] : memref<4x16x1024xf32, #tpu.memory_space<vmem>> -> memref<1x16x1024xf32, #tpu.memory_space<vmem>>
        %dma_start3A_324 = tpu.memref_squeeze %dma_start3A_323 : memref<1x16x1024xf32, #tpu.memory_space<vmem>> -> memref<16x1024xf32, #tpu.memory_space<vmem>>
        %dma_start3A_325 = arith.constant 0 : i32
        %dma_start3A_326 = tpu.memref_slice %arg5[%sub3A_320, %dma_start3A_325] : memref<64x16xi32, #tpu.memory_space<vmem>> -> memref<1x16xi32, #tpu.memory_space<vmem>>
        %dma_start3A_327 = tpu.memref_squeeze %dma_start3A_326 : memref<1x16xi32, #tpu.memory_space<vmem>> -> memref<16xi32, #tpu.memory_space<vmem>>
        %dma_start3A_328 = arith.constant 0 : i32
        %dma_start3A_329 = arith.constant 0 : i32
        %dma_start3A_330 = tpu.memref_slice %arg3[%dma_start3A_328, %dma_start3A_329] : memref<8192x1024xf32, #tpu.memory_space<hbm>> -> memref<8192x1024xf32, #tpu.memory_space<hbm>>
        tpu.enqueue_indirect_dma source(%dma_start3A_330 : memref<8192x1024xf32, #tpu.memory_space<hbm>>) target(%dma_start3A_324 : memref<16x1024xf32, #tpu.memory_space<vmem>>) offsets(%dma_start3A_327 : memref<16xi32, #tpu.memory_space<vmem>>) semaphore(%arg8 : memref<!tpu.dma_semaphore, #tpu.memory_space<semaphore_mem>>)
      } else {
      }
      %dma_wait3A_234 = arith.constant 0 : i32
      %dma_wait3A_235 = arith.constant 0 : i32
      %dma_wait3A_236 = tpu.memref_slice %arg6[%scan3A_41, %dma_wait3A_234, %dma_wait3A_235] : memref<4x16x1024xf32, #tpu.memory_space<vmem>> -> memref<1x16x1024xf32, #tpu.memory_space<vmem>>
      %dma_wait3A_237 = tpu.memref_squeeze %dma_wait3A_236 : memref<1x16x1024xf32, #tpu.memory_space<vmem>> -> memref<16x1024xf32, #tpu.memory_space<vmem>>
      %dma_wait3A_238 = arith.constant 0 : i32
      %dma_wait3A_239 = arith.constant 0 : i32
      %dma_wait3A_240 = tpu.memref_slice %arg3[%dma_wait3A_238, %dma_wait3A_239] : memref<8192x1024xf32, #tpu.memory_space<hbm>> -> memref<16x1024xf32, #tpu.memory_space<hbm>>
      %dma_wait3A_241 = arith.constant 0 : i32
      %dma_wait3A_242 = arith.constant 0 : i32
      %dma_wait3A_243 = tpu.memref_slice %arg6[%scan3A_41, %dma_wait3A_241, %dma_wait3A_242] : memref<4x16x1024xf32, #tpu.memory_space<vmem>> -> memref<1x16x1024xf32, #tpu.memory_space<vmem>>
      %dma_wait3A_244 = tpu.memref_squeeze %dma_wait3A_243 : memref<1x16x1024xf32, #tpu.memory_space<vmem>> -> memref<16x1024xf32, #tpu.memory_space<vmem>>
      %dma_wait3A_245 = arith.constant 0 : i32
      %dma_wait3A_246 = arith.constant 0 : i32
      %dma_wait3A_247 = tpu.memref_slice %arg3[%dma_wait3A_245, %dma_wait3A_246] : memref<8192x1024xf32, #tpu.memory_space<hbm>> -> memref<16x1024xf32, #tpu.memory_space<hbm>>
      tpu.wait_dma2 semaphore(%arg9 : memref<!tpu.dma_semaphore, #tpu.memory_space<semaphore_mem>>) src(%dma_wait3A_247 : memref<16x1024xf32, #tpu.memory_space<hbm>>) dst(%dma_wait3A_244 : memref<16x1024xf32, #tpu.memory_space<vmem>>)
      %mul3A_248 = arith.constant 16 : i32
      %mul3A_249 = arith.muli %add3A_212, %mul3A_248 : i32
      %add3A_250 = arith.addi %mul3A_2, %mul3A_249 : i32
      %dma_start3A_251 = arith.constant 0 : i32
      %dma_start3A_252 = arith.constant 0 : i32
      %dma_start3A_253 = tpu.memref_slice %arg6[%scan3A_41, %dma_start3A_251, %dma_start3A_252] : memref<4x16x1024xf32, #tpu.memory_space<vmem>> -> memref<1x16x1024xf32, #tpu.memory_space<vmem>>
      %dma_start3A_254 = tpu.memref_squeeze %dma_start3A_253 : memref<1x16x1024xf32, #tpu.memory_space<vmem>> -> memref<16x1024xf32, #tpu.memory_space<vmem>>
      %dma_start3A_255 = arith.constant 0 : i32
      %dma_start3A_256 = tpu.memref_slice %arg4[%add3A_250, %dma_start3A_255] : memref<32768x1024xf32, #tpu.memory_space<hbm>> -> memref<16x1024xf32, #tpu.memory_space<hbm>>
      %dma_start3A_257 = arith.constant 0 : i32
      %dma_start3A_258 = tpu.memref_slice %arg4[%add3A_250, %dma_start3A_257] : memref<32768x1024xf32, #tpu.memory_space<hbm>> -> memref<16x1024xf32, #tpu.memory_space<hbm>>
      %dma_start3A_259 = arith.constant 0 : i32
      %dma_start3A_260 = arith.constant 0 : i32
      %dma_start3A_261 = tpu.memref_slice %arg6[%scan3A_41, %dma_start3A_259, %dma_start3A_260] : memref<4x16x1024xf32, #tpu.memory_space<vmem>> -> memref<1x16x1024xf32, #tpu.memory_space<vmem>>
      %dma_start3A_262 = tpu.memref_squeeze %dma_start3A_261 : memref<1x16x1024xf32, #tpu.memory_space<vmem>> -> memref<16x1024xf32, #tpu.memory_space<vmem>>
      tpu.enqueue_dma source(%dma_start3A_262 : memref<16x1024xf32, #tpu.memory_space<vmem>>) target(%dma_start3A_258 : memref<16x1024xf32, #tpu.memory_space<hbm>>) target_semaphore(%arg13 : memref<!tpu.dma_semaphore, #tpu.memory_space<semaphore_mem>>)
      %mul3A_263 = arith.constant 4 : i32
      %mul3A_264 = arith.muli %mul3A_263, %scan3A_106 : i32
      %add3A_265 = arith.constant 3 : i32
      %add3A_266 = arith.addi %mul3A_264, %add3A_265 : i32
      %ge3A_267 = arith.constant 1 : i32
      %ge3A_268 = arith.cmpi sge, %add3A_266, %ge3A_267 : i32
      %add3A_269 = arith.constant 4 : i32
      %add3A_270 = arith.addi %add3A_266, %add3A_269 : i32
      %sub3A_271 = arith.constant 1 : i32
      %sub3A_272 = arith.subi %add3A_270, %sub3A_271 : i32
      %lt3A_273 = arith.constant 64 : i32
      %lt3A_274 = arith.cmpi slt, %sub3A_272, %lt3A_273 : i32
      %and3A_275 = arith.andi %ge3A_268, %lt3A_274 : i1
      %convert_element_type3A_276 = arith.extui %and3A_275 : i1 to i32
      %cond3A_277 = arith.constant 0 : i32
      %cond3A_278 = arith.cmpi ne, %convert_element_type3A_276, %cond3A_277 : i32
      scf.if %cond3A_278 {
        %dma_wait3A_317 = arith.constant 0 : i32
        %dma_wait3A_318 = arith.constant 0 : i32
        %dma_wait3A_319 = tpu.memref_slice %arg6[%scan3A_41, %dma_wait3A_317, %dma_wait3A_318] : memref<4x16x1024xf32, #tpu.memory_space<vmem>> -> memref<1x16x1024xf32, #tpu.memory_space<vmem>>
        %dma_wait3A_320 = tpu.memref_squeeze %dma_wait3A_319 : memref<1x16x1024xf32, #tpu.memory_space<vmem>> -> memref<16x1024xf32, #tpu.memory_space<vmem>>
        %dma_wait3A_321 = arith.constant 0 : i32
        %dma_wait3A_322 = arith.constant 0 : i32
        %dma_wait3A_323 = tpu.memref_slice %arg4[%dma_wait3A_321, %dma_wait3A_322] : memref<32768x1024xf32, #tpu.memory_space<hbm>> -> memref<16x1024xf32, #tpu.memory_space<hbm>>
        %dma_wait3A_324 = arith.constant 0 : i32
        %dma_wait3A_325 = arith.constant 0 : i32
        %dma_wait3A_326 = tpu.memref_slice %arg4[%dma_wait3A_324, %dma_wait3A_325] : memref<32768x1024xf32, #tpu.memory_space<hbm>> -> memref<16x1024xf32, #tpu.memory_space<hbm>>
        %dma_wait3A_327 = arith.constant 0 : i32
        %dma_wait3A_328 = arith.constant 0 : i32
        %dma_wait3A_329 = tpu.memref_slice %arg6[%scan3A_41, %dma_wait3A_327, %dma_wait3A_328] : memref<4x16x1024xf32, #tpu.memory_space<vmem>> -> memref<1x16x1024xf32, #tpu.memory_space<vmem>>
        %dma_wait3A_330 = tpu.memref_squeeze %dma_wait3A_329 : memref<1x16x1024xf32, #tpu.memory_space<vmem>> -> memref<16x1024xf32, #tpu.memory_space<vmem>>
        tpu.wait_dma2 semaphore(%arg13 : memref<!tpu.dma_semaphore, #tpu.memory_space<semaphore_mem>>) src(%dma_wait3A_330 : memref<16x1024xf32, #tpu.memory_space<vmem>>) dst(%dma_wait3A_326 : memref<16x1024xf32, #tpu.memory_space<hbm>>)
      } else {
      }
      %add3A_279 = arith.constant 4 : i32
      %add3A_280 = arith.addi %add3A_266, %add3A_279 : i32
      %sub3A_281 = arith.constant 1 : i32
      %sub3A_282 = arith.subi %add3A_280, %sub3A_281 : i32
      %lt3A_283 = arith.constant 64 : i32
      %lt3A_284 = arith.cmpi slt, %sub3A_282, %lt3A_283 : i32
      %convert_element_type3A_285 = arith.extui %lt3A_284 : i1 to i32
      %cond3A_286 = arith.constant 0 : i32
      %cond3A_287 = arith.cmpi ne, %convert_element_type3A_285, %cond3A_286 : i32
      scf.if %cond3A_287 {
        %add3A_317 = arith.constant 4 : i32
        %add3A_318 = arith.addi %add3A_266, %add3A_317 : i32
        %sub3A_319 = arith.constant 1 : i32
        %sub3A_320 = arith.subi %add3A_318, %sub3A_319 : i32
        %dma_start3A_321 = arith.constant 0 : i32
        %dma_start3A_322 = arith.constant 0 : i32
        %dma_start3A_323 = tpu.memref_slice %arg6[%scan3A_41, %dma_start3A_321, %dma_start3A_322] : memref<4x16x1024xf32, #tpu.memory_space<vmem>> -> memref<1x16x1024xf32, #tpu.memory_space<vmem>>
        %dma_start3A_324 = tpu.memref_squeeze %dma_start3A_323 : memref<1x16x1024xf32, #tpu.memory_space<vmem>> -> memref<16x1024xf32, #tpu.memory_space<vmem>>
        %dma_start3A_325 = arith.constant 0 : i32
        %dma_start3A_326 = tpu.memref_slice %arg5[%sub3A_320, %dma_start3A_325] : memref<64x16xi32, #tpu.memory_space<vmem>> -> memref<1x16xi32, #tpu.memory_space<vmem>>
        %dma_start3A_327 = tpu.memref_squeeze %dma_start3A_326 : memref<1x16xi32, #tpu.memory_space<vmem>> -> memref<16xi32, #tpu.memory_space<vmem>>
        %dma_start3A_328 = arith.constant 0 : i32
        %dma_start3A_329 = arith.constant 0 : i32
        %dma_start3A_330 = tpu.memref_slice %arg3[%dma_start3A_328, %dma_start3A_329] : memref<8192x1024xf32, #tpu.memory_space<hbm>> -> memref<8192x1024xf32, #tpu.memory_space<hbm>>
        tpu.enqueue_indirect_dma source(%dma_start3A_330 : memref<8192x1024xf32, #tpu.memory_space<hbm>>) target(%dma_start3A_324 : memref<16x1024xf32, #tpu.memory_space<vmem>>) offsets(%dma_start3A_327 : memref<16xi32, #tpu.memory_space<vmem>>) semaphore(%arg9 : memref<!tpu.dma_semaphore, #tpu.memory_space<semaphore_mem>>)
      } else {
      }
      %dma_wait3A_288 = arith.constant 0 : i32
      %dma_wait3A_289 = arith.constant 0 : i32
      %dma_wait3A_290 = tpu.memref_slice %arg6[%scan3A_38, %dma_wait3A_288, %dma_wait3A_289] : memref<4x16x1024xf32, #tpu.memory_space<vmem>> -> memref<1x16x1024xf32, #tpu.memory_space<vmem>>
      %dma_wait3A_291 = tpu.memref_squeeze %dma_wait3A_290 : memref<1x16x1024xf32, #tpu.memory_space<vmem>> -> memref<16x1024xf32, #tpu.memory_space<vmem>>
      %dma_wait3A_292 = arith.constant 0 : i32
      %dma_wait3A_293 = arith.constant 0 : i32
      %dma_wait3A_294 = tpu.memref_slice %arg3[%dma_wait3A_292, %dma_wait3A_293] : memref<8192x1024xf32, #tpu.memory_space<hbm>> -> memref<16x1024xf32, #tpu.memory_space<hbm>>
      %dma_wait3A_295 = arith.constant 0 : i32
      %dma_wait3A_296 = arith.constant 0 : i32
      %dma_wait3A_297 = tpu.memref_slice %arg6[%scan3A_38, %dma_wait3A_295, %dma_wait3A_296] : memref<4x16x1024xf32, #tpu.memory_space<vmem>> -> memref<1x16x1024xf32, #tpu.memory_space<vmem>>
      %dma_wait3A_298 = tpu.memref_squeeze %dma_wait3A_297 : memref<1x16x1024xf32, #tpu.memory_space<vmem>> -> memref<16x1024xf32, #tpu.memory_space<vmem>>
      %dma_wait3A_299 = arith.constant 0 : i32
      %dma_wait3A_300 = arith.constant 0 : i32
      %dma_wait3A_301 = tpu.memref_slice %arg3[%dma_wait3A_299, %dma_wait3A_300] : memref<8192x1024xf32, #tpu.memory_space<hbm>> -> memref<16x1024xf32, #tpu.memory_space<hbm>>
      tpu.wait_dma2 semaphore(%arg10 : memref<!tpu.dma_semaphore, #tpu.memory_space<semaphore_mem>>) src(%dma_wait3A_301 : memref<16x1024xf32, #tpu.memory_space<hbm>>) dst(%dma_wait3A_298 : memref<16x1024xf32, #tpu.memory_space<vmem>>)
      %mul3A_302 = arith.constant 16 : i32
      %mul3A_303 = arith.muli %add3A_266, %mul3A_302 : i32
      %add3A_304 = arith.addi %mul3A_2, %mul3A_303 : i32
      %dma_start3A_305 = arith.constant 0 : i32
      %dma_start3A_306 = arith.constant 0 : i32
      %dma_start3A_307 = tpu.memref_slice %arg6[%scan3A_38, %dma_start3A_305, %dma_start3A_306] : memref<4x16x1024xf32, #tpu.memory_space<vmem>> -> memref<1x16x1024xf32, #tpu.memory_space<vmem>>
      %dma_start3A_308 = tpu.memref_squeeze %dma_start3A_307 : memref<1x16x1024xf32, #tpu.memory_space<vmem>> -> memref<16x1024xf32, #tpu.memory_space<vmem>>
      %dma_start3A_309 = arith.constant 0 : i32
      %dma_start3A_310 = tpu.memref_slice %arg4[%add3A_304, %dma_start3A_309] : memref<32768x1024xf32, #tpu.memory_space<hbm>> -> memref<16x1024xf32, #tpu.memory_space<hbm>>
      %dma_start3A_311 = arith.constant 0 : i32
      %dma_start3A_312 = tpu.memref_slice %arg4[%add3A_304, %dma_start3A_311] : memref<32768x1024xf32, #tpu.memory_space<hbm>> -> memref<16x1024xf32, #tpu.memory_space<hbm>>
      %dma_start3A_313 = arith.constant 0 : i32
      %dma_start3A_314 = arith.constant 0 : i32
      %dma_start3A_315 = tpu.memref_slice %arg6[%scan3A_38, %dma_start3A_313, %dma_start3A_314] : memref<4x16x1024xf32, #tpu.memory_space<vmem>> -> memref<1x16x1024xf32, #tpu.memory_space<vmem>>
      %dma_start3A_316 = tpu.memref_squeeze %dma_start3A_315 : memref<1x16x1024xf32, #tpu.memory_space<vmem>> -> memref<16x1024xf32, #tpu.memory_space<vmem>>
      tpu.enqueue_dma source(%dma_start3A_316 : memref<16x1024xf32, #tpu.memory_space<vmem>>) target(%dma_start3A_312 : memref<16x1024xf32, #tpu.memory_space<hbm>>) target_semaphore(%arg14 : memref<!tpu.dma_semaphore, #tpu.memory_space<semaphore_mem>>)
    }
    %scan3A_46 = arith.constant 16 : i32
    %dma_wait3A = arith.constant 0 : i32
    %dma_wait3A_47 = arith.constant 0 : i32
    %dma_wait3A_48 = arith.constant 0 : i32
    %dma_wait3A_49 = tpu.memref_slice %arg6[%dma_wait3A, %dma_wait3A_47, %dma_wait3A_48] : memref<4x16x1024xf32, #tpu.memory_space<vmem>> -> memref<1x16x1024xf32, #tpu.memory_space<vmem>>
    %dma_wait3A_50 = tpu.memref_squeeze %dma_wait3A_49 : memref<1x16x1024xf32, #tpu.memory_space<vmem>> -> memref<16x1024xf32, #tpu.memory_space<vmem>>
    %dma_wait3A_51 = arith.constant 0 : i32
    %dma_wait3A_52 = arith.constant 0 : i32
    %dma_wait3A_53 = tpu.memref_slice %arg4[%dma_wait3A_51, %dma_wait3A_52] : memref<32768x1024xf32, #tpu.memory_space<hbm>> -> memref<16x1024xf32, #tpu.memory_space<hbm>>
    %dma_wait3A_54 = arith.constant 0 : i32
    %dma_wait3A_55 = arith.constant 0 : i32
    %dma_wait3A_56 = tpu.memref_slice %arg4[%dma_wait3A_54, %dma_wait3A_55] : memref<32768x1024xf32, #tpu.memory_space<hbm>> -> memref<16x1024xf32, #tpu.memory_space<hbm>>
    %dma_wait3A_57 = arith.constant 0 : i32
    %dma_wait3A_58 = arith.constant 0 : i32
    %dma_wait3A_59 = tpu.memref_slice %arg6[%dma_wait3A, %dma_wait3A_57, %dma_wait3A_58] : memref<4x16x1024xf32, #tpu.memory_space<vmem>> -> memref<1x16x1024xf32, #tpu.memory_space<vmem>>
    %dma_wait3A_60 = tpu.memref_squeeze %dma_wait3A_59 : memref<1x16x1024xf32, #tpu.memory_space<vmem>> -> memref<16x1024xf32, #tpu.memory_space<vmem>>
    tpu.wait_dma2 semaphore(%arg11 : memref<!tpu.dma_semaphore, #tpu.memory_space<semaphore_mem>>) src(%dma_wait3A_60 : memref<16x1024xf32, #tpu.memory_space<vmem>>) dst(%dma_wait3A_56 : memref<16x1024xf32, #tpu.memory_space<hbm>>)
    %dma_wait3A_61 = arith.constant 1 : i32
    %dma_wait3A_62 = arith.constant 0 : i32
    %dma_wait3A_63 = arith.constant 0 : i32
    %dma_wait3A_64 = tpu.memref_slice %arg6[%dma_wait3A_61, %dma_wait3A_62, %dma_wait3A_63] : memref<4x16x1024xf32, #tpu.memory_space<vmem>> -> memref<1x16x1024xf32, #tpu.memory_space<vmem>>
    %dma_wait3A_65 = tpu.memref_squeeze %dma_wait3A_64 : memref<1x16x1024xf32, #tpu.memory_space<vmem>> -> memref<16x1024xf32, #tpu.memory_space<vmem>>
    %dma_wait3A_66 = arith.constant 0 : i32
    %dma_wait3A_67 = arith.constant 0 : i32
    %dma_wait3A_68 = tpu.memref_slice %arg4[%dma_wait3A_66, %dma_wait3A_67] : memref<32768x1024xf32, #tpu.memory_space<hbm>> -> memref<16x1024xf32, #tpu.memory_space<hbm>>
    %dma_wait3A_69 = arith.constant 0 : i32
    %dma_wait3A_70 = arith.constant 0 : i32
    %dma_wait3A_71 = tpu.memref_slice %arg4[%dma_wait3A_69, %dma_wait3A_70] : memref<32768x1024xf32, #tpu.memory_space<hbm>> -> memref<16x1024xf32, #tpu.memory_space<hbm>>
    %dma_wait3A_72 = arith.constant 0 : i32
    %dma_wait3A_73 = arith.constant 0 : i32
    %dma_wait3A_74 = tpu.memref_slice %arg6[%dma_wait3A_61, %dma_wait3A_72, %dma_wait3A_73] : memref<4x16x1024xf32, #tpu.memory_space<vmem>> -> memref<1x16x1024xf32, #tpu.memory_space<vmem>>
    %dma_wait3A_75 = tpu.memref_squeeze %dma_wait3A_74 : memref<1x16x1024xf32, #tpu.memory_space<vmem>> -> memref<16x1024xf32, #tpu.memory_space<vmem>>
    tpu.wait_dma2 semaphore(%arg12 : memref<!tpu.dma_semaphore, #tpu.memory_space<semaphore_mem>>) src(%dma_wait3A_75 : memref<16x1024xf32, #tpu.memory_space<vmem>>) dst(%dma_wait3A_71 : memref<16x1024xf32, #tpu.memory_space<hbm>>)
    %dma_wait3A_76 = arith.constant 2 : i32
    %dma_wait3A_77 = arith.constant 0 : i32
    %dma_wait3A_78 = arith.constant 0 : i32
    %dma_wait3A_79 = tpu.memref_slice %arg6[%dma_wait3A_76, %dma_wait3A_77, %dma_wait3A_78] : memref<4x16x1024xf32, #tpu.memory_space<vmem>> -> memref<1x16x1024xf32, #tpu.memory_space<vmem>>
    %dma_wait3A_80 = tpu.memref_squeeze %dma_wait3A_79 : memref<1x16x1024xf32, #tpu.memory_space<vmem>> -> memref<16x1024xf32, #tpu.memory_space<vmem>>
    %dma_wait3A_81 = arith.constant 0 : i32
    %dma_wait3A_82 = arith.constant 0 : i32
    %dma_wait3A_83 = tpu.memref_slice %arg4[%dma_wait3A_81, %dma_wait3A_82] : memref<32768x1024xf32, #tpu.memory_space<hbm>> -> memref<16x1024xf32, #tpu.memory_space<hbm>>
    %dma_wait3A_84 = arith.constant 0 : i32
    %dma_wait3A_85 = arith.constant 0 : i32
    %dma_wait3A_86 = tpu.memref_slice %arg4[%dma_wait3A_84, %dma_wait3A_85] : memref<32768x1024xf32, #tpu.memory_space<hbm>> -> memref<16x1024xf32, #tpu.memory_space<hbm>>
    %dma_wait3A_87 = arith.constant 0 : i32
    %dma_wait3A_88 = arith.constant 0 : i32
    %dma_wait3A_89 = tpu.memref_slice %arg6[%dma_wait3A_76, %dma_wait3A_87, %dma_wait3A_88] : memref<4x16x1024xf32, #tpu.memory_space<vmem>> -> memref<1x16x1024xf32, #tpu.memory_space<vmem>>
    %dma_wait3A_90 = tpu.memref_squeeze %dma_wait3A_89 : memref<1x16x1024xf32, #tpu.memory_space<vmem>> -> memref<16x1024xf32, #tpu.memory_space<vmem>>
    tpu.wait_dma2 semaphore(%arg13 : memref<!tpu.dma_semaphore, #tpu.memory_space<semaphore_mem>>) src(%dma_wait3A_90 : memref<16x1024xf32, #tpu.memory_space<vmem>>) dst(%dma_wait3A_86 : memref<16x1024xf32, #tpu.memory_space<hbm>>)
    %dma_wait3A_91 = arith.constant 3 : i32
    %dma_wait3A_92 = arith.constant 0 : i32
    %dma_wait3A_93 = arith.constant 0 : i32
    %dma_wait3A_94 = tpu.memref_slice %arg6[%dma_wait3A_91, %dma_wait3A_92, %dma_wait3A_93] : memref<4x16x1024xf32, #tpu.memory_space<vmem>> -> memref<1x16x1024xf32, #tpu.memory_space<vmem>>
    %dma_wait3A_95 = tpu.memref_squeeze %dma_wait3A_94 : memref<1x16x1024xf32, #tpu.memory_space<vmem>> -> memref<16x1024xf32, #tpu.memory_space<vmem>>
    %dma_wait3A_96 = arith.constant 0 : i32
    %dma_wait3A_97 = arith.constant 0 : i32
    %dma_wait3A_98 = tpu.memref_slice %arg4[%dma_wait3A_96, %dma_wait3A_97] : memref<32768x1024xf32, #tpu.memory_space<hbm>> -> memref<16x1024xf32, #tpu.memory_space<hbm>>
    %dma_wait3A_99 = arith.constant 0 : i32
    %dma_wait3A_100 = arith.constant 0 : i32
    %dma_wait3A_101 = tpu.memref_slice %arg4[%dma_wait3A_99, %dma_wait3A_100] : memref<32768x1024xf32, #tpu.memory_space<hbm>> -> memref<16x1024xf32, #tpu.memory_space<hbm>>
    %dma_wait3A_102 = arith.constant 0 : i32
    %dma_wait3A_103 = arith.constant 0 : i32
    %dma_wait3A_104 = tpu.memref_slice %arg6[%dma_wait3A_91, %dma_wait3A_102, %dma_wait3A_103] : memref<4x16x1024xf32, #tpu.memory_space<vmem>> -> memref<1x16x1024xf32, #tpu.memory_space<vmem>>
    %dma_wait3A_105 = tpu.memref_squeeze %dma_wait3A_104 : memref<1x16x1024xf32, #tpu.memory_space<vmem>> -> memref<16x1024xf32, #tpu.memory_space<vmem>>
    tpu.wait_dma2 semaphore(%arg14 : memref<!tpu.dma_semaphore, #tpu.memory_space<semaphore_mem>>) src(%dma_wait3A_105 : memref<16x1024xf32, #tpu.memory_space<vmem>>) dst(%dma_wait3A_101 : memref<16x1024xf32, #tpu.memory_space<hbm>>)
    return
  }
}

</mosaic_0001>

<sc_bundles>
// kernel: kernel.3.cloned.1.call-start
scs
__scs_entry_jumppad:
0x0: {  	(pc) =	sbr.rel $0x88, $3  }
0x1: {  	(tag) =	ssettag $0x0;
	lr =	simm.s32 $0x1  }
0x2: {  	[smem:$0x3F9F] =	sst lr;
	_ =	strace $0xD0000000  }
0x3: {  	_ = 	snop  }
0x4: {  	_ = 	snop  }
0x5: {  	_ = 	snop  }
0x6: {  	_ = 	snop  }
0x7: {  	_ = 	snop  }
__scs_overlays_trampoline_lowered:
0x8: {  	[smem:$0x3FAE] =	sst s0  }
0x9: {  	[smem:$0x3FAF] =	sst s1  }
0xa: {  	[smem:$0x3FB0] =	sst s2  }
0xb: {  	[smem:$0x3FB1] =	sst s3  }
0xc: {  	[smem:$0x3FB2] =	sst s4  }
0xd: {  	[smem:$0x3FB3] =	sst s5  }
0xe: {  	[smem:$0x3FB4] =	sst s6  }
0xf: {  	[smem:$0x3FB5] =	sst s7  }
0x10: {  	[smem:$0x3FB6] =	sst s8  }
0x11: {  	[smem:$0x3FB7] =	sst s9;
	s0 =	simm.s32 @!p0 $0x0  }
0x12: {  	s1 =	sld [smem:$0x3F9D];
	s0 =	simm.s32 @p0 $0x1  }
0x13: {  	[smem:$0x3FB8] =	sst s0;
	s0 =	simm.s32 @!p1 $0x0  }
0x14: {  	s2 =	sld [smem:$0x3F9C];
	s0 =	simm.s32 @p1 $0x1  }
0x15: {  	[smem:$0x3FB9] =	sst s0;
	s0 =	simm.s32 @!p2 $0x0  }
0x16: {  	s3 =	sld [smem:$0x3FDB];
	s0 =	simm.s32 @p2 $0x1  }
0x17: {  	s4 =	simm.s32 $0x1BF5;
	[smem:$0x3FBB] =	sst s0  }
0x18: {  	s0 =	sld [smem:$0x3F9E];
	_ =	swait.ge [sflag:s4], $0x0  }
0x19: {  	s7 =	sld [smem:$0x3F9F]  }
0x1a: {  	s8 =	sadd.s32 $0xFFFFE003, lr  }
0x1b: {  	s9 =	sadd.s32 $0xFFFFFEF7, lr;
	s5 =	simm.s32 $0xFFFFFFFF;
	p2 =	slt.u32 s8, $0xFFFFF086  }
0x1c: {  	p1 =	slt.u32 s9, $0xF7A;
	s5 =	simm.s32 @!p2 $0x0  }
0x1d: {  	s5 =	simm.s32 @p1 $0x1;
	p0 =	seq.s32 s7, s2  }
0x1e: {  	s7 =	smul.u32 @!p0 $0xF7A, s2;
	p2 =	seq.s32 @!p0 s5, $0x0  }
0x1f: {  	s9 =	smul.u32 $0xF7A, s1;
	s8 =	simm.s32 @!p0 $0x1BF5;
	p2 =	por !p2, p0  }
0x20: {  	[sflag:s8] =	ssyncset.s32 @!p0 $0xFFFFF086;
	s6 =	sadd.s32 @!p0 s3, s7;
	s7 =	simm.s32 @!p0 $0x108  }
0x21: {  	s3 =	sadd.s32 s3, s9;
	s6 =	sadd.s32 @!p0 $0x88, s6;
	s7 =	simm.s32 @p2 $0x1082  }
0x22: {  	[simem:s7], [sflag:s8] =	dma.local @!p0 [hbm:s6], $0xF7A  }
0x23: {  	s9 =	sor.u32 $0xD0000000, s2;
	s6 =	simm.s32 $0x108;
	_ =	swait.ge @!p0 [sflag:s8], $0x0  }
0x24: {  	s3 =	sadd.s32 $0x88, s3;
	s6 =	simm.s32 @!p1 $0x1082;
	[sflag:s4] =	ssyncset.s32 $0xFFFFF086  }
0x25: {  	[simem:s6], [sflag:s4] =	dma.local [hbm:s3], $0xF7A  }
0x26: {  	[smem:$0x3F9F] =	sst s1;
	(tag) =	ssettag s2;
	_ =	strace s9  }
0x27: {  	s1 =	sld [smem:$0x3FAF]  }
0x28: {  	s2 =	sld [smem:$0x3FB0]  }
0x29: {  	s4 =	sld [smem:$0x3FB2]  }
0x2a: {  	p0 =	seq.s32 s5, $0x0;
	s5 =	sld [smem:$0x3FB3]  }
0x2b: {  	s6 =	sld [smem:$0x3FB4]  }
0x2c: {  	s7 =	sld [smem:$0x3FB5]  }
0x2d: {  	s3 =	simm.s32 $0x108;
	s8 =	sld [smem:$0x3FB6]  }
0x2e: {  	s3 =	simm.s32 @!p0 $0x1082;
	s9 =	sld [smem:$0x3FB7]  }
0x2f: {  	lr =	sadd.s32 s0, s3;
	s0 =	sld [smem:$0x3FAE]  }
0x30: {  	s3 =	sld [smem:$0x3FB1]  }
0x31: {  	[smem:$0x3FBA] =	sst s10  }
0x32: {  	s10 =	sld [smem:$0x3FB8];
	_ =	sdelay $0x3  }
0x33: {  	p0 =	seq.s32 s10, $0x1;
	s10 =	sld [smem:$0x3FBA];
	_ =	sdelay $0x3  }
0x34: {  	[smem:$0x3FBA] =	sst s10  }
0x35: {  	s10 =	sld [smem:$0x3FB9];
	_ =	sdelay $0x3  }
0x36: {  	p1 =	seq.s32 s10, $0x1;
	s10 =	sld [smem:$0x3FBA];
	_ =	sdelay $0x3  }
0x37: {  	[smem:$0x3FBA] =	sst s10  }
0x38: {  	s10 =	sld [smem:$0x3FBB]  }
0x39: {  	_ = 	snop;
	(pc) =	sbr.ind lr, $3  }
0x3a: {  	_ = 	snop  }
0x3b: {  	_ = 	snop  }
0x3c: {  	p2 =	seq.s32 s10, $0x1;
	s10 =	sld [smem:$0x3FBA]  }
0x3d: {  	_ =	shalt  }
0x3e: {  	_ =	shalt  }
0x3f: {  	_ =	shalt  }
0x40: {  	_ =	shalt  }
0x41: {  	_ =	shalt  }
0x42: {  	_ =	shalt  }
0x43: {  	_ =	shalt  }
0x44: {  	_ =	shalt  }
0x45: {  	_ =	shalt  }
0x46: {  	_ =	shalt  }
0x47: {  	_ =	shalt  }
0x48: {  	_ =	shalt  }
0x49: {  	_ =	shalt  }
0x4a: {  	_ =	shalt  }
0x4b: {  	_ =	shalt  }
0x4c: {  	_ =	shalt  }
0x4d: {  	_ =	shalt  }
0x4e: {  	_ =	shalt  }
0x4f: {  	_ =	shalt  }
0x50: {  	_ =	shalt  }
0x51: {  	_ =	shalt  }
0x52: {  	_ =	shalt  }
0x53: {  	_ =	shalt  }
0x54: {  	_ =	shalt  }
0x55: {  	_ =	shalt  }
0x56: {  	_ =	shalt  }
0x57: {  	_ =	shalt  }
0x58: {  	_ =	shalt  }
0x59: {  	_ =	shalt  }
0x5a: {  	_ =	shalt  }
0x5b: {  	_ =	shalt  }
0x5c: {  	_ =	shalt  }
0x5d: {  	_ =	shalt  }
0x5e: {  	_ =	shalt  }
0x5f: {  	_ =	shalt  }
0x60: {  	_ =	shalt  }
0x61: {  	_ =	shalt  }
0x62: {  	_ =	shalt  }
0x63: {  	_ =	shalt  }
0x64: {  	_ =	shalt  }
0x65: {  	_ =	shalt  }
0x66: {  	_ =	shalt  }
0x67: {  	_ =	shalt  }
0x68: {  	_ =	shalt  }
0x69: {  	_ =	shalt  }
0x6a: {  	_ =	shalt  }
0x6b: {  	_ =	shalt  }
0x6c: {  	_ =	shalt  }
0x6d: {  	_ =	shalt  }
0x6e: {  	_ =	shalt  }
0x6f: {  	_ =	shalt  }
0x70: {  	_ =	shalt  }
0x71: {  	_ =	shalt  }
0x72: {  	_ =	shalt  }
0x73: {  	_ =	shalt  }
0x74: {  	_ =	shalt  }
0x75: {  	_ =	shalt  }
0x76: {  	_ =	shalt  }
0x77: {  	_ =	shalt  }
0x78: {  	_ =	shalt  }
0x79: {  	_ =	shalt  }
0x7a: {  	_ =	shalt  }
0x7b: {  	_ =	shalt  }
0x7c: {  	_ =	shalt  }
0x7d: {  	_ =	shalt  }
0x7e: {  	_ =	shalt  }
0x7f: {  	_ =	shalt  }
0x80: {  	_ =	shalt  }
0x81: {  	_ =	shalt  }
0x82: {  	_ =	shalt  }
0x83: {  	_ =	shalt  }
0x84: {  	_ =	shalt  }
0x85: {  	_ =	shalt  }
0x86: {  	_ =	shalt  }
0x87: {  	_ =	shalt  }
.Lfunc_end0:
.L_simem_size_0:
called_computation_lowered:
.L_overlay_start_0:
0x88: {  	s2 =	sld [smem:$0x3FD9]  }
0x89: {  	s3 =	sld [smem:$0x3FFE];
	_ =	sdelay $0x1  }
0x8a: {  	s1 =	srdreg.scid  }
0x8b: {  	s0 =	sand.u32 $0x1, s1  }
0x8c: {  	s17 =	sshll.u32 s0, $0xA;
	s2 =	sadd.s32 s3, s2  }
0x8d: {  	s2 =	sadd.s32 s2, s17  }
0x8e: {  	[smem:$0x3FC6] =	sst s2  }
0x8f: {  	_ = 	snop  }
0x90: {  	s2 =	sld [smem:$0x3FC8]  }
0x91: {  	s18 =	sld [smem:$0x3FD0];
	(tm) =	ssettm $0x1  }
0x92: {  	s4 =	sld [smem:$0x3FFB];
	_ =	sdelay $0x3  }
0x93: {  	_ =	strace s4  }
0x94: {  	s4 =	sld [smem:$0x3FFC];
	_ =	sdelay $0x3  }
0x95: {  	_ =	strace s4  }
0x96: {  	s4 =	sld [smem:$0x3FFD];
	_ =	sdelay $0x3  }
0x97: {  	_ =	strace s4  }
0x98: {  	_ =	strace $0x8FFFFFFF  }
0x99: {  	s19 =	sld [smem:$0x3FDB];
	_ =	sdelay $0x1  }
0x9a: {  	s5 =	simm.s32 $_scs_section_size  }
0x9b: {  	s6 =	simm.s32 $_size__tile_overlayer_lowered;
	s7 =	simm.s32 $_tile_overlayer_lowered  }
0x9c: {  	s22 =	simm.s32 $0x1BFF;
	s21 =	sshll.u32 s7, $0x1;
	s4 =	sadd.s32 s5, s19  }
0x9d: {  	s8 =	simm.s32 $0x0;
	s20 =	sshll.u32 s6, $0x1;
	s6 =	sadd.s32 s21, s4  }
0x9e: {  	[timem:s8], [sflag:s22] =	dma.local [hbm:s6], s20  }
0x9f: {  	_ =	swait.ge [sflag:s22], s20  }
0xa0: {  	s5 =	ssub.s32 $0x0, s20;
	[sflag:s22] =	ssyncset.done $0x0  }
0xa1: {  	[sflag:s22] =	ssyncadd.s32 s5;
	_ =	sdelay $0x1  }
0xa2: {  	s23 =	simm.s32 $0x1B8B  }
0xa3: {  	_ =	swait.ge [sflag:s23], $0x1  }
0xa4: {  	[sflag:s23] =	ssyncset.done $0x0  }
0xa5: {  	s25 =	simm.s32 $0x1B8E;
	s24 =	sld [smem:$0x3FFE];
	[sflag:s23] =	ssyncadd.s32 $0xFFFFFFFF  }
0xa6: {  	s26 =	simm.s32 $execute0_lowered;
	[smem:$0x3FD2] =	sst s25  }
0xa7: {  	s6 =	sshll.u32 s26, $0x1;
	_ =	strace $0x80000046;
	[dreg:$0x1] =	wrdreg $0xFFFFFFFF  }
0xa8: {  	s28 =	simm.s32 $_size_execute0_lowered;
	s4 =	sadd.s32 s4, s6;
	[dreg:$0x0] =	wrdreg $0x0  }
0xa9: {  	s6 =	sshll.u32 s28, $0x1;
	[dreg:$0x2] =	wrdreg s4  }
0xaa: {  	[dreg:$0x3] =	wrdreg s6  }
0xab: {  	[dreg:$0x4] =	wrdreg $0xC0  }
0xac: {  	_ =	task [dreg:s8], $0x5FFFF  }
0xad: {  	[dreg:$0x1] =	wrdreg $0xFFFFFFFF  }
0xae: {  	[dreg:$0x0] =	wrdreg $0x60  }
0xaf: {  	[dreg:$0x2] =	wrdreg s24  }
0xb0: {  	[dreg:$0x3] =	wrdreg s2  }
0xb1: {  	[dreg:$0x4] =	wrdreg s18  }
0xb2: {  	[dreg:$0x5] =	wrdreg $0x9  }
0xb3: {  	_ =	task.clear_ibuf [dreg:s8], $0x6FFFF;
	_ =	strace $0x90000046  }
0xb4: {  	s29 =	simm.s32 $0x9;
	_ =	strace $0x80000048  }
0xb5: {  	_ =	swait.ge [sflag:s29], $0x1  }
0xb6: {  	[sflag:s29] =	ssyncadd.s32 $0xFFFFFFFF  }
0xb7: {  	_ =	strace $0x90000048  }
0xb8: {  	_ =	sfence  }
0xb9: {  	s30 =	sld [smem:$0x0];
	_ =	sdelay $0x2  }
0xba: {  	s31 =	sshll.u32 s1, $0xD;
	s1 =	sshrl.u32 s1, $0x2  }
0xbb: {  	s3 =	sand.u32 $0x4000, s31;
	s1 =	sadd.s32 s1, s30  }
0xbc: {  	s0 =	sor.u32 s3, s0;
	s1 =	sshll.u32 s1, $0x11  }
0xbd: {  	s0 =	sor.u32 s1, s0  }
0xbe: {  	s0 =	sadd.s32 $0x8F2B, s0  }
0xbf: {  	[sflag:s0] =	ssyncadd.remote.s32 $0x1  }
0xc0: {  	_ =	sfence.sel $0xFFFF  }
0xc1: {  	[dreg:$0x0] =	wrdreg $0xFFFFFFFF;
	(pc) =	sbr.abs _section_cstart, $3  }
0xc2: {  	[dreg:$0x1] =	wrdreg $0xFFFFFFFF  }
0xc3: {  	_ =	task.clear_ibuf [dreg:s8], $0x2FFFF;
	_ =	strace $0x9FFFFFFF  }
0xc4: {  	(tm) =	ssettm $0x7FFFFFFF  }
0xc5: {  	_ =	shalt  }
tec
execute0_lowered:
.L_overlay_start_1:
0x0: {  	(tag) =	ssettag $0x1  }
0x1: {  	s0 =	rddreg [dreg:$0x0]  }
0x2: {  	s2 =	rddreg [dreg:$0x1]  }
0x3: {  	s1 =	rddreg [dreg:$0x2]  }
0x4: {  	s3 =	srdreg.scid;
	s7 =	stileid.u32  }
0x5: {  	s9 =	simm.s32 $0x9;
	s10 =	simm.s32 $0x2000;
	s22 =	simm.s32 $0xE800  }
0x6: {  	s23 =	simm.s32 $0xF000;
	s24 =	simm.s32 $0xF800;
	s25 =	simm.s32 $0x10000  }
0x7: {  	s26 =	simm.s32 $0x10800;
	s28 =	simm.s32 $0x11000;
	s29 =	simm.s32 $0x11800  }
0x8: {  	s30 =	simm.s32 $0xB800;
	s31 =	simm.s32 $0xC000;
	s11 =	simm.s32 $0xD800  }
0x9: {  	s12 =	simm.s32 $0xE000;
	s6 =	sand.u32 $0x1, s3;
	s3 =	simm.s32 $0x0  }
0xa: {  	s13 =	simm.s32 $0x1;
	s14 =	simm.s32 $0x2;
	[smem:$0x7FF] =	sst s3  }
0xb: {  	s15 =	simm.s32 $0x3;
	_ =	strace $0x80000047;
	[dreg:$0x5] =	wrdreg s22  }
0xc: {  	s16 =	simm.s32 $0x4;
	s17 =	simm.s32 $0x5;
	[dreg:$0x6] =	wrdreg s23  }
0xd: {  	s4 =	sshll.u32 s7, $0xB;
	s20 =	sshll.u32 s7, $0x12;
	[dreg:$0x7] =	wrdreg s24  }
0xe: {  	s7 =	sadd.s32 $0x300, s2;
	s5 =	sshll.u32 s6, $0xA;
	[dreg:$0x8] =	wrdreg s25  }
0xf: {  	s18 =	ssub.s32 $0x2, s6;
	s21 =	sshll.u32 s6, $0x11;
	[dreg:$0x9] =	wrdreg s26  }
0x10: {  	s6 =	sadd.s32 $0x200, s2;
	s4 =	sor.u32 s5, s4;
	[dreg:$0xa] =	wrdreg s28  }
0x11: {  	s19 =	sshrl.u32 s18, $0x1;
	s5 =	sadd.s32 $0x100, s2;
	[dreg:$0xb] =	wrdreg s29  }
0x12: {  	s26 =	simm.s32 $0xA000;
	s22 =	simm.s32 $0x0;
	s0 =	sadd.s32 s4, s0  }
0x13: {  	s8 =	ssub.s32 s18, s19;
	s18 =	simm.s32 $0x6000;
	s19 =	simm.s32 $0x6  }
0x14: {  	v2 =	vlaneseq.u32;
	s4 =	sadd.s32 $0x400, s0;
	s0 =	sadd.s32 s20, s1;
	s8 =	smax.u32 s8, $0x1  }
0x15: {  	vm0 =	vmmov $0xffff;
	v1 =	vshrl.u32 v2, $0x3;
	s1 =	simm.s32 $0xD000;
	s20 =	simm.s32 $0x7;
	s0 =	sadd.s32 s21, s0  }
0x16: {  	v0 =	vand.u32 $0x7, v2;
	v2 =	vor.u32 $0x8, v2;
	v1 =	vmul.u32 $0x8, v1;
	s21 =	simm.s32 $0x8;
	[dreg:$0x4] =	wrdreg s0;
	s0 =	simm.s32 $0xC800  }
.LBB2_1:
0x17: {  	[tilespmem:s3], [sflag:$0x9] =	stream.linear.gather [hbm4b:s4+s3], $0x2000, $0x38;
	[tilespmem:$0x12000] =	vst v63  }
0x18: {  	_ =	swait.ge [sflag:s9], $0x2000  }
0x19: {  	[sflag:s9] =	ssyncset.done $0x0  }
0x1a: {  	[sflag:s9] =	ssyncadd.s32 $0xFFFFE000  }
0x1b: {  	v3 =	vld [tilespmem:$0x0];
	_ =	sdelay $0x4  }
0x1c: {  	v4 =	vshll.u32 v3, $0x3  }
0x1d: {  	v3 =	vand.u32 $0x7, v3;
	v4 =	vand.u32 $0xFFFFFFC0, v4  }
0x1e: {  	v3 =	vor.u32 v3, v4  }
0x1f: {  	v4 =	vperm.xlane v3, v0;
	_ =	sdelay $0x1  }
0x20: {  	v4 =	vadd.s32 v1, v4;
	_ =	sdelay $0x4  }
0x21: {  	[tilespmem:s10], [sflag:$0x1] =	stream.indirect_vreg.gather [hbm4b:s2+s3], $0x80, v4, vm0, $0xb8;
	[tilespmem:$0x12000] =	vst v63  }
0x22: {  	s23 =	simm.s32 $0x2800;
	v3 =	vperm.xlane v3, v2  }
0x23: {  	[tilespmem:s23], [sflag:$0x1] =	stream.indirect_vreg.gather [hbm4b:s5+s3], $0x80, v4, vm0, $0xb8;
	[tilespmem:$0x12000] =	vst v63  }
0x24: {  	s25 =	simm.s32 $0x3000;
	v3 =	vadd.s32 v1, v3  }
0x25: {  	[tilespmem:s25], [sflag:$0x1] =	stream.indirect_vreg.gather [hbm4b:s6+s3], $0x80, v4, vm0, $0xb8;
	[tilespmem:$0x12000] =	vst v63  }
0x26: {  	s28 =	simm.s32 $0x3800  }
0x27: {  	[tilespmem:s28], [sflag:$0x1] =	stream.indirect_vreg.gather [hbm4b:s7+s3], $0x80, v4, vm0, $0xb8;
	[tilespmem:$0x12000] =	vst v63  }
0x28: {  	s29 =	simm.s32 $0x4000  }
0x29: {  	[tilespmem:s29], [sflag:$0x1] =	stream.indirect_vreg.gather [hbm4b:s2+s3], $0x80, v3, vm0, $0xb8;
	[tilespmem:$0x12000] =	vst v63  }
0x2a: {  	s24 =	simm.s32 $0x4800  }
0x2b: {  	[tilespmem:s24], [sflag:$0x1] =	stream.indirect_vreg.gather [hbm4b:s5+s3], $0x80, v3, vm0, $0xb8;
	[tilespmem:$0x12000] =	vst v63  }
0x2c: {  	s25 =	simm.s32 $0x5000  }
0x2d: {  	[tilespmem:s25], [sflag:$0x1] =	stream.indirect_vreg.gather [hbm4b:s6+s3], $0x80, v3, vm0, $0xb8;
	[tilespmem:$0x12000] =	vst v63  }
0x2e: {  	s28 =	simm.s32 $0x5800  }
0x2f: {  	[tilespmem:s28], [sflag:$0x1] =	stream.indirect_vreg.gather [hbm4b:s7+s3], $0x80, v3, vm0, $0xb8;
	[tilespmem:$0x12000] =	vst v63  }
0x30: {  	v3 =	vld [tilespmem:$0x80];
	_ =	sdelay $0x4  }
0x31: {  	v62 =	vshll.u32 v3, $0x3  }
0x32: {  	v3 =	vand.u32 $0x7, v3;
	v4 =	vand.u32 $0xFFFFFFC0, v62  }
0x33: {  	v3 =	vor.u32 v3, v4  }
0x34: {  	v4 =	vperm.xlane v3, v0;
	_ =	sdelay $0x1  }
0x35: {  	v4 =	vadd.s32 v1, v4;
	_ =	sdelay $0x4  }
0x36: {  	[tilespmem:s18], [sflag:$0x2] =	stream.indirect_vreg.gather [hbm4b:s2+s3], $0x80, v4, vm0, $0xb8;
	[tilespmem:$0x12000] =	vst v63  }
0x37: {  	s29 =	simm.s32 $0x6800;
	v3 =	vperm.xlane v3, v2  }
0x38: {  	[tilespmem:s29], [sflag:$0x2] =	stream.indirect_vreg.gather [hbm4b:s5+s3], $0x80, v4, vm0, $0xb8;
	[tilespmem:$0x12000] =	vst v63  }
0x39: {  	s24 =	simm.s32 $0x7000;
	v3 =	vadd.s32 v1, v3  }
0x3a: {  	[tilespmem:s24], [sflag:$0x2] =	stream.indirect_vreg.gather [hbm4b:s6+s3], $0x80, v4, vm0, $0xb8;
	[tilespmem:$0x12000] =	vst v63  }
0x3b: {  	s25 =	simm.s32 $0x7800  }
0x3c: {  	[tilespmem:s25], [sflag:$0x2] =	stream.indirect_vreg.gather [hbm4b:s7+s3], $0x80, v4, vm0, $0xb8;
	[tilespmem:$0x12000] =	vst v63  }
0x3d: {  	s28 =	simm.s32 $0x8000  }
0x3e: {  	[tilespmem:s28], [sflag:$0x2] =	stream.indirect_vreg.gather [hbm4b:s2+s3], $0x80, v3, vm0, $0xb8;
	[tilespmem:$0x12000] =	vst v63  }
0x3f: {  	s29 =	simm.s32 $0x8800  }
0x40: {  	[tilespmem:s29], [sflag:$0x2] =	stream.indirect_vreg.gather [hbm4b:s5+s3], $0x80, v3, vm0, $0xb8;
	[tilespmem:$0x12000] =	vst v63  }
0x41: {  	s24 =	simm.s32 $0x9000  }
0x42: {  	[tilespmem:s24], [sflag:$0x2] =	stream.indirect_vreg.gather [hbm4b:s6+s3], $0x80, v3, vm0, $0xb8;
	[tilespmem:$0x12000] =	vst v63  }
0x43: {  	s25 =	simm.s32 $0x9800  }
0x44: {  	[tilespmem:s25], [sflag:$0x2] =	stream.indirect_vreg.gather [hbm4b:s7+s3], $0x80, v3, vm0, $0xb8;
	[tilespmem:$0x12000] =	vst v63  }
0x45: {  	v3 =	vld [tilespmem:$0x100];
	_ =	sdelay $0x4  }
0x46: {  	v63 =	vshll.u32 v3, $0x3  }
0x47: {  	v3 =	vand.u32 $0x7, v3;
	v4 =	vand.u32 $0xFFFFFFC0, v63  }
0x48: {  	v3 =	vor.u32 v3, v4  }
0x49: {  	v4 =	vperm.xlane v3, v0;
	_ =	sdelay $0x1  }
0x4a: {  	v4 =	vadd.s32 v1, v4;
	_ =	sdelay $0x4  }
0x4b: {  	[tilespmem:s26], [sflag:$0x3] =	stream.indirect_vreg.gather [hbm4b:s2+s3], $0x80, v4, vm0, $0xb8;
	[tilespmem:$0x12000] =	vst v63  }
0x4c: {  	s28 =	simm.s32 $0xA800;
	v3 =	vperm.xlane v3, v2  }
0x4d: {  	[tilespmem:s28], [sflag:$0x3] =	stream.indirect_vreg.gather [hbm4b:s5+s3], $0x80, v4, vm0, $0xb8;
	[tilespmem:$0x12000] =	vst v63  }
0x4e: {  	s29 =	simm.s32 $0xB000;
	v3 =	vadd.s32 v1, v3  }
0x4f: {  	[tilespmem:s29], [sflag:$0x3] =	stream.indirect_vreg.gather [hbm4b:s6+s3], $0x80, v4, vm0, $0xb8;
	[tilespmem:$0x12000] =	vst v63  }
0x50: {  	_ = 	snop  }
0x51: {  	[tilespmem:s30], [sflag:$0x3] =	stream.indirect_vreg.gather [hbm4b:s7+s3], $0x80, v4, vm0, $0xb8;
	[tilespmem:$0x12000] =	vst v63  }
0x52: {  	_ = 	snop  }
0x53: {  	[tilespmem:s31], [sflag:$0x3] =	stream.indirect_vreg.gather [hbm4b:s2+s3], $0x80, v3, vm0, $0xb8;
	[tilespmem:$0x12000] =	vst v63  }
0x54: {  	_ = 	snop  }
0x55: {  	[tilespmem:s0], [sflag:$0x3] =	stream.indirect_vreg.gather [hbm4b:s5+s3], $0x80, v3, vm0, $0xb8;
	[tilespmem:$0x12000] =	vst v63  }
0x56: {  	_ = 	snop  }
0x57: {  	[tilespmem:s1], [sflag:$0x3] =	stream.indirect_vreg.gather [hbm4b:s6+s3], $0x80, v3, vm0, $0xb8;
	[tilespmem:$0x12000] =	vst v63  }
0x58: {  	s23 =	simm.s32 $0x300;
	s24 =	simm.s32 $0x0  }
0x59: {  	[tilespmem:s11], [sflag:$0x3] =	stream.indirect_vreg.gather [hbm4b:s7+s3], $0x80, v3, vm0, $0xb8;
	[tilespmem:$0x12000] =	vst v63  }
.LBB2_2:
0x5a: {  	p0 =	seq.s32 s24, $0x0  }
0x5b: {  	s25 =	simm.s32 @!p0 $0x8  }
0x5c: {  	_ =	swait.ge @!p0 [sflag:s25], $0x4000  }
0x5d: {  	[sflag:s25] =	ssyncset.done @!p0 $0x0  }
0x5e: {  	[sflag:s25] =	ssyncadd.s32 @!p0 $0xFFFFC000  }
0x5f: {  	v3 =	vld [tilespmem:s23+$0xFFFFFE80];
	_ =	sdelay $0x4  }
0x60: {  	v4 =	vshll.u32 v3, $0x3  }
0x61: {  	v3 =	vand.u32 $0x7, v3;
	v4 =	vand.u32 $0xFFFFFFC0, v4  }
0x62: {  	v3 =	vor.u32 v3, v4  }
0x63: {  	v4 =	vperm.xlane v3, v0;
	_ =	sdelay $0x1  }
0x64: {  	v4 =	vadd.s32 v1, v4;
	_ =	sdelay $0x4  }
0x65: {  	[tilespmem:s12], [sflag:$0x4] =	stream.indirect_vreg.gather [hbm4b:s2+s3], $0x80, v4, vm0, $0xb8;
	[tilespmem:$0x12000] =	vst v63  }
0x66: {  	s29 =	rddreg [dreg:$0x5];
	v3 =	vperm.xlane v3, v2  }
0x67: {  	[tilespmem:s29], [sflag:$0x4] =	stream.indirect_vreg.gather [hbm4b:s5+s3], $0x80, v4, vm0, $0xb8;
	[tilespmem:$0x12000] =	vst v63  }
0x68: {  	s28 =	rddreg [dreg:$0x6];
	v3 =	vadd.s32 v1, v3  }
0x69: {  	[tilespmem:s28], [sflag:$0x4] =	stream.indirect_vreg.gather [hbm4b:s6+s3], $0x80, v4, vm0, $0xb8;
	[tilespmem:$0x12000] =	vst v63  }
0x6a: {  	s29 =	rddreg [dreg:$0x7]  }
0x6b: {  	[tilespmem:s29], [sflag:$0x4] =	stream.indirect_vreg.gather [hbm4b:s7+s3], $0x80, v4, vm0, $0xb8;
	[tilespmem:$0x12000] =	vst v63  }
0x6c: {  	s28 =	rddreg [dreg:$0x8]  }
0x6d: {  	[tilespmem:s28], [sflag:$0x4] =	stream.indirect_vreg.gather [hbm4b:s2+s3], $0x80, v3, vm0, $0xb8;
	[tilespmem:$0x12000] =	vst v63  }
0x6e: {  	s29 =	rddreg [dreg:$0x9]  }
0x6f: {  	[tilespmem:s29], [sflag:$0x4] =	stream.indirect_vreg.gather [hbm4b:s5+s3], $0x80, v3, vm0, $0xb8;
	[tilespmem:$0x12000] =	vst v63  }
0x70: {  	s28 =	rddreg [dreg:$0xa]  }
0x71: {  	[tilespmem:s28], [sflag:$0x4] =	stream.indirect_vreg.gather [hbm4b:s6+s3], $0x80, v3, vm0, $0xb8;
	[tilespmem:$0x12000] =	vst v63  }
0x72: {  	s29 =	rddreg [dreg:$0xb]  }
0x73: {  	[tilespmem:s29], [sflag:$0x4] =	stream.indirect_vreg.gather [hbm4b:s7+s3], $0x80, v3, vm0, $0xb8;
	[tilespmem:$0x12000] =	vst v63  }
0x74: {  	_ =	swait.ge [sflag:s13], $0x4000  }
0x75: {  	p0 =	seq.s32 s24, $0x1E000;
	s29 =	rddreg [dreg:$0x4];
	[sflag:s13] =	ssyncset.done $0x0  }
0x76: {  	s28 =	simm.s32 @!p0 $0x5;
	[sflag:s13] =	ssyncadd.s32 $0xFFFFC000;
	s25 =	sadd.s32 s24, s29  }
0x77: {  	[hbm4b:s25+s3] =	stream.linear.scatter [tilespmem:s10], [sflag:$0x5], $0x4000, $0x38;
	[tilespmem:$0x12000] =	vst v63  }
0x78: {  	_ =	swait.ge @!p0 [sflag:s28], $0x4000  }
0x79: {  	[sflag:s28] =	ssyncset.done @!p0 $0x0  }
0x7a: {  	[sflag:s28] =	ssyncadd.s32 @!p0 $0xFFFFC000  }
0x7b: {  	v3 =	vld @!p0 [tilespmem:s23+$0xFFFFFF00];
	_ =	sdelay $0x4  }
0x7c: {  	v4 =	vshll.u32 @!p0 v3, $0x3  }
0x7d: {  	v5 =	vlaneseq.u32 @!p0;
	v3 =	vand.u32 @!p0 $0x7, v3;
	v4 =	vand.u32 @!p0 $0xFFFFFFC0, v4  }
0x7e: {  	v6 =	vshrl.u32 @!p0 v5, $0x3;
	v3 =	vor.u32 @!p0 v3, v4;
	v4 =	vand.u32 @!p0 $0x7, v5  }
0x7f: {  	v6 =	vmul.u32 @!p0 $0x8, v6;
	v7 =	vperm.xlane @!p0 v3, v4;
	_ =	sdelay $0x1  }
0x80: {  	v7 =	vadd.s32 @!p0 v6, v7;
	_ =	sdelay $0x3  }
0x81: {  	vm1 =	vmmov @!p0 $0xffff;
	s29 =	simm.s32 @!p0 $0x2000;
	s28 =	simm.s32 @!p0 $0x0  }
0x82: {  	v5 =	vor.u32 @!p0 $0x8, v5;
	[tilespmem:s29], [sflag:$0x1] =	stream.indirect_vreg.gather @!p0 [hbm4b:s2+s28], $0x80, v7, vm1, $0xb8;
	[tilespmem:$0x12000] =	vst v63  }
0x83: {  	v3 =	vperm.xlane @!p0 v3, v5;
	s29 =	simm.s32 @!p0 $0x2800  }
0x84: {  	[tilespmem:s29], [sflag:$0x1] =	stream.indirect_vreg.gather @!p0 [hbm4b:s5+s28], $0x80, v7, vm1, $0xb8;
	[tilespmem:$0x12000] =	vst v63  }
0x85: {  	v3 =	vadd.s32 @!p0 v6, v3;
	s29 =	simm.s32 @!p0 $0x3000  }
0x86: {  	[tilespmem:s29], [sflag:$0x1] =	stream.indirect_vreg.gather @!p0 [hbm4b:s6+s28], $0x80, v7, vm1, $0xb8;
	[tilespmem:$0x12000] =	vst v63  }
0x87: {  	s29 =	simm.s32 @!p0 $0x3800  }
0x88: {  	[tilespmem:s29], [sflag:$0x1] =	stream.indirect_vreg.gather @!p0 [hbm4b:s7+s28], $0x80, v7, vm1, $0xb8;
	[tilespmem:$0x12000] =	vst v63  }
0x89: {  	s29 =	simm.s32 @!p0 $0x4000  }
0x8a: {  	[tilespmem:s29], [sflag:$0x1] =	stream.indirect_vreg.gather @!p0 [hbm4b:s2+s28], $0x80, v3, vm1, $0xb8;
	[tilespmem:$0x12000] =	vst v63  }
0x8b: {  	s29 =	simm.s32 @!p0 $0x4800  }
0x8c: {  	[tilespmem:s29], [sflag:$0x1] =	stream.indirect_vreg.gather @!p0 [hbm4b:s5+s28], $0x80, v3, vm1, $0xb8;
	[tilespmem:$0x12000] =	vst v63  }
0x8d: {  	s29 =	simm.s32 @!p0 $0x5000  }
0x8e: {  	[tilespmem:s29], [sflag:$0x1] =	stream.indirect_vreg.gather @!p0 [hbm4b:s6+s28], $0x80, v3, vm1, $0xb8;
	[tilespmem:$0x12000] =	vst v63  }
0x8f: {  	s29 =	simm.s32 @!p0 $0x5800  }
0x90: {  	[tilespmem:s29], [sflag:$0x1] =	stream.indirect_vreg.gather @!p0 [hbm4b:s7+s28], $0x80, v3, vm1, $0xb8;
	[tilespmem:$0x12000] =	vst v63  }
0x91: {  	_ =	swait.ge [sflag:s14], $0x4000  }
0x92: {  	[sflag:s14] =	ssyncset.done $0x0  }
0x93: {  	s29 =	sadd.s32 $0x800, s25;
	[sflag:s14] =	ssyncadd.s32 $0xFFFFC000  }
0x94: {  	[hbm4b:s29+s3] =	stream.linear.scatter [tilespmem:s18], [sflag:$0x6], $0x4000, $0x38;
	[tilespmem:$0x12000] =	vst v63  }
0x95: {  	s29 =	simm.s32 @!p0 $0x6  }
0x96: {  	_ =	swait.ge @!p0 [sflag:s29], $0x4000  }
0x97: {  	[sflag:s29] =	ssyncset.done @!p0 $0x0  }
0x98: {  	[sflag:s29] =	ssyncadd.s32 @!p0 $0xFFFFC000  }
0x99: {  	v3 =	vld @!p0 [tilespmem:s23+$0xFFFFFF80];
	_ =	sdelay $0x4  }
0x9a: {  	v7 =	vshll.u32 @!p0 v3, $0x3  }
0x9b: {  	v3 =	vand.u32 @!p0 $0x7, v3;
	v7 =	vand.u32 @!p0 $0xFFFFFFC0, v7  }
0x9c: {  	v3 =	vor.u32 @!p0 v3, v7  }
0x9d: {  	v7 =	vperm.xlane @!p0 v3, v4;
	_ =	sdelay $0x1  }
0x9e: {  	v7 =	vadd.s32 @!p0 v6, v7;
	_ =	sdelay $0x3  }
0x9f: {  	s29 =	simm.s32 @!p0 $0x6000  }
0xa0: {  	[tilespmem:s29], [sflag:$0x2] =	stream.indirect_vreg.gather @!p0 [hbm4b:s2+s28], $0x80, v7, vm1, $0xb8;
	[tilespmem:$0x12000] =	vst v63  }
0xa1: {  	v3 =	vperm.xlane @!p0 v3, v5;
	s29 =	simm.s32 @!p0 $0x6800  }
0xa2: {  	[tilespmem:s29], [sflag:$0x2] =	stream.indirect_vreg.gather @!p0 [hbm4b:s5+s28], $0x80, v7, vm1, $0xb8;
	[tilespmem:$0x12000] =	vst v63  }
0xa3: {  	v3 =	vadd.s32 @!p0 v6, v3;
	s29 =	simm.s32 @!p0 $0x7000  }
0xa4: {  	[tilespmem:s29], [sflag:$0x2] =	stream.indirect_vreg.gather @!p0 [hbm4b:s6+s28], $0x80, v7, vm1, $0xb8;
	[tilespmem:$0x12000] =	vst v63  }
0xa5: {  	s29 =	simm.s32 @!p0 $0x7800  }
0xa6: {  	[tilespmem:s29], [sflag:$0x2] =	stream.indirect_vreg.gather @!p0 [hbm4b:s7+s28], $0x80, v7, vm1, $0xb8;
	[tilespmem:$0x12000] =	vst v63  }
0xa7: {  	s29 =	simm.s32 @!p0 $0x8000  }
0xa8: {  	[tilespmem:s29], [sflag:$0x2] =	stream.indirect_vreg.gather @!p0 [hbm4b:s2+s28], $0x80, v3, vm1, $0xb8;
	[tilespmem:$0x12000] =	vst v63  }
0xa9: {  	s29 =	simm.s32 @!p0 $0x8800  }
0xaa: {  	[tilespmem:s29], [sflag:$0x2] =	stream.indirect_vreg.gather @!p0 [hbm4b:s5+s28], $0x80, v3, vm1, $0xb8;
	[tilespmem:$0x12000] =	vst v63  }
0xab: {  	s29 =	simm.s32 @!p0 $0x9000  }
0xac: {  	[tilespmem:s29], [sflag:$0x2] =	stream.indirect_vreg.gather @!p0 [hbm4b:s6+s28], $0x80, v3, vm1, $0xb8;
	[tilespmem:$0x12000] =	vst v63  }
0xad: {  	s29 =	simm.s32 @!p0 $0x9800  }
0xae: {  	[tilespmem:s29], [sflag:$0x2] =	stream.indirect_vreg.gather @!p0 [hbm4b:s7+s28], $0x80, v3, vm1, $0xb8;
	[tilespmem:$0x12000] =	vst v63  }
0xaf: {  	_ =	swait.ge [sflag:s15], $0x4000  }
0xb0: {  	[sflag:s15] =	ssyncset.done $0x0  }
0xb1: {  	s29 =	sadd.s32 $0x1000, s25;
	[sflag:s15] =	ssyncadd.s32 $0xFFFFC000  }
0xb2: {  	[hbm4b:s29+s3] =	stream.linear.scatter [tilespmem:s26], [sflag:$0x7], $0x4000, $0x38;
	[tilespmem:$0x12000] =	vst v63  }
0xb3: {  	s29 =	simm.s32 @!p0 $0x7  }
0xb4: {  	_ =	swait.ge @!p0 [sflag:s29], $0x4000  }
0xb5: {  	[sflag:s29] =	ssyncset.done @!p0 $0x0  }
0xb6: {  	[sflag:s29] =	ssyncadd.s32 @!p0 $0xFFFFC000  }
0xb7: {  	v3 =	vld @!p0 [tilespmem:s23+$0x0];
	_ =	sdelay $0x4  }
0xb8: {  	v7 =	vshll.u32 @!p0 v3, $0x3  }
0xb9: {  	v3 =	vand.u32 @!p0 $0x7, v3;
	v7 =	vand.u32 @!p0 $0xFFFFFFC0, v7  }
0xba: {  	v3 =	vor.u32 @!p0 v3, v7  }
0xbb: {  	v4 =	vperm.xlane @!p0 v3, v4;
	_ =	sdelay $0x1  }
0xbc: {  	v4 =	vadd.s32 @!p0 v6, v4;
	_ =	sdelay $0x3  }
0xbd: {  	s29 =	simm.s32 @!p0 $0xA000  }
0xbe: {  	[tilespmem:s29], [sflag:$0x3] =	stream.indirect_vreg.gather @!p0 [hbm4b:s2+s28], $0x80, v4, vm1, $0xb8;
	[tilespmem:$0x12000] =	vst v63  }
0xbf: {  	v3 =	vperm.xlane @!p0 v3, v5;
	s29 =	simm.s32 @!p0 $0xA800  }
0xc0: {  	[tilespmem:s29], [sflag:$0x3] =	stream.indirect_vreg.gather @!p0 [hbm4b:s5+s28], $0x80, v4, vm1, $0xb8;
	[tilespmem:$0x12000] =	vst v63  }
0xc1: {  	v3 =	vadd.s32 @!p0 v6, v3;
	s29 =	simm.s32 @!p0 $0xB000  }
0xc2: {  	[tilespmem:s29], [sflag:$0x3] =	stream.indirect_vreg.gather @!p0 [hbm4b:s6+s28], $0x80, v4, vm1, $0xb8;
	[tilespmem:$0x12000] =	vst v63  }
0xc3: {  	s29 =	simm.s32 @!p0 $0xB800  }
0xc4: {  	[tilespmem:s29], [sflag:$0x3] =	stream.indirect_vreg.gather @!p0 [hbm4b:s7+s28], $0x80, v4, vm1, $0xb8;
	[tilespmem:$0x12000] =	vst v63  }
0xc5: {  	s29 =	simm.s32 @!p0 $0xC000  }
0xc6: {  	[tilespmem:s29], [sflag:$0x3] =	stream.indirect_vreg.gather @!p0 [hbm4b:s2+s28], $0x80, v3, vm1, $0xb8;
	[tilespmem:$0x12000] =	vst v63  }
0xc7: {  	s29 =	simm.s32 @!p0 $0xC800  }
0xc8: {  	[tilespmem:s29], [sflag:$0x3] =	stream.indirect_vreg.gather @!p0 [hbm4b:s5+s28], $0x80, v3, vm1, $0xb8;
	[tilespmem:$0x12000] =	vst v63  }
0xc9: {  	s29 =	simm.s32 @!p0 $0xD000  }
0xca: {  	[tilespmem:s29], [sflag:$0x3] =	stream.indirect_vreg.gather @!p0 [hbm4b:s6+s28], $0x80, v3, vm1, $0xb8;
	[tilespmem:$0x12000] =	vst v63  }
0xcb: {  	s24 =	sadd.s32 $0x2000, s24;
	s29 =	simm.s32 @!p0 $0xD800  }
0xcc: {  	[tilespmem:s29], [sflag:$0x3] =	stream.indirect_vreg.gather @!p0 [hbm4b:s7+s28], $0x80, v3, vm1, $0xb8;
	[tilespmem:$0x12000] =	vst v63  }
0xcd: {  	p0 =	sne.s32 s24, $0x20000  }
.Ltmp0:
0xce: {  	_ = 	snop;
	(pc) =	sbr.rel @p0 .LBB2_2-.Ltmp0, $4  }
0xcf: {  	_ =	swait.ge [sflag:s16], $0x4000  }
0xd0: {  	[sflag:s16] =	ssyncset.done $0x0  }
0xd1: {  	s25 =	sadd.s32 $0x1800, s25;
	s23 =	sadd.s32 $0x200, s23;
	[sflag:s16] =	ssyncadd.s32 $0xFFFFC000  }
0xd2: {  	[hbm4b:s25+s3] =	stream.linear.scatter [tilespmem:s12], [sflag:$0x8], $0x4000, $0x38;
	[tilespmem:$0x12000] =	vst v63  }
0xd3: {  	_ =	swait.ge [sflag:s17], $0x4000  }
0xd4: {  	[sflag:s17] =	ssyncset.done $0x0  }
0xd5: {  	[sflag:s17] =	ssyncadd.s32 $0xFFFFC000  }
0xd6: {  	_ =	swait.ge [sflag:s19], $0x4000  }
0xd7: {  	[sflag:s19] =	ssyncset.done $0x0  }
0xd8: {  	s22 =	sadd.s32 $0x1, s22;
	[sflag:s19] =	ssyncadd.s32 $0xFFFFC000  }
0xd9: {  	p0 =	sne.s32 s22, s8;
	_ =	swait.ge [sflag:s20], $0x4000  }
.Ltmp1:
0xda: {  	[sflag:s20] =	ssyncset.done $0x0;
	(pc) =	sbr.rel @p0 .LBB2_1-.Ltmp1, $4  }
0xdb: {  	[sflag:s20] =	ssyncadd.s32 $0xFFFFC000  }
0xdc: {  	_ =	swait.ge [sflag:s21], $0x4000  }
0xdd: {  	[sflag:s21] =	ssyncset.done $0x0  }
0xde: {  	[sflag:s21] =	ssyncadd.s32 $0xFFFFC000  }
0xdf: {  	_ =	sfence.sel $0x180000  }
0xe0: {  	[bflag:$0x0] =	sbarrier.arrive $0xFFFF  }
0xe1: {  	_ =	strace $0x90000047  }
0xe2: {  	s0 =	stileid.u32;
	[bflag:$0x2] =	sbarrier.arrive $0xFFFF  }
0xe3: {  	p0 =	sne.s32 s0, $0x0;
	s0 =	rddreg [dreg:$0x3]  }
0xe4: {  	s0 =	sadd.s32 @!p0 $0x100000, s0  }
0xe5: {  	[sflag:s0] =	ssyncadd.tile.s32 @!p0 $0x1;
	_ =	shalt  }
.Lfunc_end2:
_tile_overlayer_lowered:
.L_overlay_start_2:
0xe6: {  	(tag) =	ssettag $0x2  }
0xe7: {  	s0 =	rddreg [dreg:$0x0];
	s2 =	stileid.u32  }
0xe8: {  	s1 =	rddreg [dreg:$0x1];
	p0 =	sne.s32 s2, $0x0  }
0xe9: {  	s3 =	rddreg [dreg:$0x2];
	[bflag:$0x3] =	sbarrier.arrive $0xFFFF;
	s2 =	simm.s32 @!p0 $0x1C09  }
0xea: {  	[timem:s3], [sflag:s2] =	dma.local @!p0 [hbm:s0], s1  }
0xeb: {  	s0 =	simm.s32 @!p0 $0x9  }
0xec: {  	_ =	swait.ge @!p0 [sflag:s0], s1  }
0xed: {  	s1 =	ssub.s32 @!p0 $0x0, s1;
	[sflag:s0] =	ssyncset.done @!p0 $0x0  }
0xee: {  	[sflag:s0] =	ssyncadd.s32 @!p0 s1  }
0xef: {  	[bflag:$0x3] =	sbarrier.arrive $0xFFFF  }
0xf0: {  	_ =	shalt  }

</sc_bundles>
